<compile_context>
chip_gen: v7x
topology: tpu7x:2x2x1
jax: 0.10.2.dev20260603
libtpu: 0.0.44.dev20260713+nightly
codegen_flags: <defaults>
</compile_context>

<pallas_src>
import dataclasses
import functools

import jax
import jax.numpy as jnp
from jax import lax
from jax.experimental import pallas as pl
from jax.experimental.pallas import tpu as pltpu
from jax.experimental.pallas import tpu_sc as plsc

_NC = 2
_NS = 16
_NW = _NC * _NS
_L = 16

_RT = 4
_NB = 2
_CU = 2
_UNROLL = 2


@jax.jit
def _shuffle(x, indices):
    batch, chans = x.shape
    rows_per_w = batch // _NW
    n_tr = rows_per_w // _RT
    mesh = plsc.VectorSubcoreMesh(core_axis_name="c", subcore_axis_name="s")
    cp = pltpu.CompilerParams()
    if "needs_layout_passes" in pltpu.CompilerParams.__dataclass_fields__:
        cp = dataclasses.replace(cp, needs_layout_passes=False)

    row_buf = pltpu.VMEM((chans,), jnp.float32)

    @functools.partial(
        pl.kernel,
        compiler_params=cp,
        out_type=jax.ShapeDtypeStruct((batch, chans), jnp.float32),
        mesh=mesh,
        scratch_types=(
            [pltpu.VMEM((chans,), jnp.int32)]
            + [row_buf] * (_NB * _RT)
            + [row_buf] * (_NB * _RT)
            + [pltpu.SemaphoreType.DMA((_NB,)),
               pltpu.SemaphoreType.DMA((_NB,))]
        ),
    )
    def k(x_hbm, idx_hbm, o_hbm, idx_v, *rest):
        in_bufs = [rest[b * _RT:(b + 1) * _RT] for b in range(_NB)]
        out_bufs = [rest[(_NB + b) * _RT:(_NB + b + 1) * _RT]
                    for b in range(_NB)]
        in_sems, out_sems = rest[2 * _NB * _RT], rest[2 * _NB * _RT + 1]
        wid = lax.axis_index("c") * _NS + lax.axis_index("s")
        row0 = wid * rows_per_w

        def in_copies(t, b):
            return [pltpu.make_async_copy(
                x_hbm.at[row0 + t * _RT + r], in_bufs[b][r], in_sems.at[b])
                for r in range(_RT)]

        def out_copies(t, b):
            return [pltpu.make_async_copy(
                out_bufs[b][r], o_hbm.at[row0 + t * _RT + r], out_sems.at[b])
                for r in range(_RT)]

        def compute(b):
            @plsc.parallel_loop(0, chans, step=_L * _CU, unroll=_UNROLL)
            def _(c):
                cols = [idx_v[pl.ds(c + u * _L, _L)] for u in range(_CU)]
                vals = [plsc.load_gather(in_bufs[b][r], [cols[u]])
                        for u in range(_CU) for r in range(_RT)]
                k = 0
                for u in range(_CU):
                    for r in range(_RT):
                        out_bufs[b][r][pl.ds(c + u * _L, _L)] = vals[k]
                        k += 1

        for b in range(_NB):
            for cp_ in in_copies(b, b):
                cp_.start()
        pltpu.sync_copy(idx_hbm, idx_v)

        @pl.loop(0, n_tr, step=_NB)
        def _(t):
            for b in range(_NB):
                tb = t + b
                for cp_ in in_copies(tb, b):
                    cp_.wait()

                @pl.when(tb >= _NB)
                def _():
                    for cp_ in out_copies(tb - _NB, b):
                        cp_.wait()

                compute(b)
                for cp_ in out_copies(tb, b):
                    cp_.start()

                @pl.when(tb + _NB < n_tr)
                def _():
                    for cp_ in in_copies(tb + _NB, b):
                        cp_.start()

        for b in range(_NB):
            for cp_ in out_copies(n_tr - _NB + b, b):
                cp_.wait()

    return k(x, indices)


def kernel(x, objective, indices, rev_indices):
    return (_shuffle(x, indices), objective)

# --- scband reference (transcript-rebuilt; emitter-appended) ---
"""Pipeline reference for scband-shuffle-27608049779206 (READ-ONLY COPY).

The authoritative reference and input builder live on the scoring server;
editing this copy changes nothing except your own understanding.
"""

import jax, jax.numpy as jnp
import numpy as np

NUM_CHANNELS = 4096
BATCH = 16384


def setup_inputs(seed: int = 0) -> dict:
    key = jax.random.key(seed)
    k1, k2 = jax.random.split(key)
    x = jax.random.normal(k1, (BATCH, NUM_CHANNELS), dtype=jnp.float32)
    objective = jax.random.normal(k2, (BATCH,), dtype=jnp.float32)
    # Buffers built in __init__: a fixed random permutation and its inverse.
    rng = np.random.RandomState(0)
    indices_np = np.arange(NUM_CHANNELS)
    rng.shuffle(indices_np)
    rev_np = np.zeros_like(indices_np)
    rev_np[indices_np] = np.arange(NUM_CHANNELS)
    indices = jnp.asarray(indices_np, dtype=jnp.int32)
    rev_indices = jnp.asarray(rev_np, dtype=jnp.int32)
    return {"x": x, "objective": objective, "indices": indices, "rev_indices": rev_indices}


def reference(x, objective, indices, rev_indices):
    # Shuffle.forward_: permute channels via gather, pass objective through.
    y = jnp.take(x, indices, axis=1)
    return (y, objective)

if __name__ == "__main__":
    import jax
    _d = setup_inputs()
    print(jax.jit(kernel)(*tuple(_d.values())))

</pallas_src>

<mosaic_0001>
#map = affine_map<(d0, d1) -> (0, 0)>
#map1 = affine_map<(d0, d1) -> (0)>
module attributes {stable_mosaic.version = 14 : i64} {
  func.func @k(%arg0: i32, %arg1: i32, %arg2: memref<16384x4096xf32, #tpu.memory_space<hbm>>, %arg3: memref<4096xi32, #tpu.memory_space<hbm>>, %arg4: memref<16384x4096xf32, #tpu.memory_space<hbm>>, %arg5: memref<4096xi32, #tpu.memory_space<vmem>>, %arg6: memref<4096xf32, #tpu.memory_space<vmem>>, %arg7: memref<4096xf32, #tpu.memory_space<vmem>>, %arg8: memref<4096xf32, #tpu.memory_space<vmem>>, %arg9: memref<4096xf32, #tpu.memory_space<vmem>>, %arg10: memref<4096xf32, #tpu.memory_space<vmem>>, %arg11: memref<4096xf32, #tpu.memory_space<vmem>>, %arg12: memref<4096xf32, #tpu.memory_space<vmem>>, %arg13: memref<4096xf32, #tpu.memory_space<vmem>>, %arg14: memref<4096xf32, #tpu.memory_space<vmem>>, %arg15: memref<4096xf32, #tpu.memory_space<vmem>>, %arg16: memref<4096xf32, #tpu.memory_space<vmem>>, %arg17: memref<4096xf32, #tpu.memory_space<vmem>>, %arg18: memref<4096xf32, #tpu.memory_space<vmem>>, %arg19: memref<4096xf32, #tpu.memory_space<vmem>>, %arg20: memref<4096xf32, #tpu.memory_space<vmem>>, %arg21: memref<4096xf32, #tpu.memory_space<vmem>>, %arg22: memref<2x!tpu.dma_semaphore, #tpu.memory_space<semaphore_mem>>, %arg23: memref<2x!tpu.dma_semaphore, #tpu.memory_space<semaphore_mem>>) attributes {dimension_semantics = [#tpu.dimension_semantics<core_parallel>, #tpu.dimension_semantics<subcore_parallel>], iteration_bounds = array<i64: 2, 16>, scalar_prefetch = 0 : i64, scratch_operands = 19 : i64, tpu.core_type = #tpu.core_type<sc_vector_subcore>, window_params = [{transform_indices = #map}, {transform_indices = #map1}, {transform_indices = #map}]} {
    %mul3A = arith.constant 16 : i32
    %mul3A_0 = arith.muli %arg0, %mul3A : i32
    %add3A = arith.addi %mul3A_0, %arg1 : i32
    %mul3A_1 = arith.constant 512 : i32
    %mul3A_2 = arith.muli %add3A, %mul3A_1 : i32
    %add3A_3 = arith.constant 0 : i32
    %add3A_4 = arith.addi %mul3A_2, %add3A_3 : i32
    %add3A_5 = arith.constant 0 : i32
    %add3A_6 = arith.addi %add3A_4, %add3A_5 : i32
    %add3A_7 = arith.constant 0 : i32
    %add3A_8 = arith.addi %mul3A_2, %add3A_7 : i32
    %add3A_9 = arith.constant 1 : i32
    %add3A_10 = arith.addi %add3A_8, %add3A_9 : i32
    %add3A_11 = arith.constant 0 : i32
    %add3A_12 = arith.addi %mul3A_2, %add3A_11 : i32
    %add3A_13 = arith.constant 2 : i32
    %add3A_14 = arith.addi %add3A_12, %add3A_13 : i32
    %add3A_15 = arith.constant 0 : i32
    %add3A_16 = arith.addi %mul3A_2, %add3A_15 : i32
    %add3A_17 = arith.constant 3 : i32
    %add3A_18 = arith.addi %add3A_16, %add3A_17 : i32
    %dma_start3A = arith.constant 0 : i32
    %dma_start3A_19 = arith.constant 0 : i32
    %dma_start3A_20 = tpu.memref_slice %arg2[%add3A_6, %dma_start3A_19] : memref<16384x4096xf32, #tpu.memory_space<hbm>> -> memref<1x4096xf32, #tpu.memory_space<hbm>>
    %dma_start3A_21 = tpu.memref_squeeze %dma_start3A_20 : memref<1x4096xf32, #tpu.memory_space<hbm>> -> memref<4096xf32, #tpu.memory_space<hbm>>
    %dma_start3A_22 = tpu.memref_slice %arg22[%dma_start3A] : memref<2x!tpu.dma_semaphore, #tpu.memory_space<semaphore_mem>> -> memref<1x!tpu.dma_semaphore, #tpu.memory_space<semaphore_mem>>
    %dma_start3A_23 = tpu.memref_squeeze %dma_start3A_22 : memref<1x!tpu.dma_semaphore, #tpu.memory_space<semaphore_mem>> -> memref<!tpu.dma_semaphore, #tpu.memory_space<semaphore_mem>>
    %dma_start3A_24 = arith.constant 0 : i32
    %dma_start3A_25 = tpu.memref_slice %arg2[%add3A_6, %dma_start3A_24] : memref<16384x4096xf32, #tpu.memory_space<hbm>> -> memref<1x4096xf32, #tpu.memory_space<hbm>>
    %dma_start3A_26 = tpu.memref_squeeze %dma_start3A_25 : memref<1x4096xf32, #tpu.memory_space<hbm>> -> memref<4096xf32, #tpu.memory_space<hbm>>
    tpu.enqueue_dma source(%dma_start3A_26 : memref<4096xf32, #tpu.memory_space<hbm>>) target(%arg6 : memref<4096xf32, #tpu.memory_space<vmem>>) target_semaphore(%dma_start3A_23 : memref<!tpu.dma_semaphore, #tpu.memory_space<semaphore_mem>>)
    %dma_start3A_27 = arith.constant 0 : i32
    %dma_start3A_28 = arith.constant 0 : i32
    %dma_start3A_29 = tpu.memref_slice %arg2[%add3A_10, %dma_start3A_28] : memref<16384x4096xf32, #tpu.memory_space<hbm>> -> memref<1x4096xf32, #tpu.memory_space<hbm>>
    %dma_start3A_30 = tpu.memref_squeeze %dma_start3A_29 : memref<1x4096xf32, #tpu.memory_space<hbm>> -> memref<4096xf32, #tpu.memory_space<hbm>>
    %dma_start3A_31 = tpu.memref_slice %arg22[%dma_start3A_27] : memref<2x!tpu.dma_semaphore, #tpu.memory_space<semaphore_mem>> -> memref<1x!tpu.dma_semaphore, #tpu.memory_space<semaphore_mem>>
    %dma_start3A_32 = tpu.memref_squeeze %dma_start3A_31 : memref<1x!tpu.dma_semaphore, #tpu.memory_space<semaphore_mem>> -> memref<!tpu.dma_semaphore, #tpu.memory_space<semaphore_mem>>
    %dma_start3A_33 = arith.constant 0 : i32
    %dma_start3A_34 = tpu.memref_slice %arg2[%add3A_10, %dma_start3A_33] : memref<16384x4096xf32, #tpu.memory_space<hbm>> -> memref<1x4096xf32, #tpu.memory_space<hbm>>
    %dma_start3A_35 = tpu.memref_squeeze %dma_start3A_34 : memref<1x4096xf32, #tpu.memory_space<hbm>> -> memref<4096xf32, #tpu.memory_space<hbm>>
    tpu.enqueue_dma source(%dma_start3A_35 : memref<4096xf32, #tpu.memory_space<hbm>>) target(%arg7 : memref<4096xf32, #tpu.memory_space<vmem>>) target_semaphore(%dma_start3A_32 : memref<!tpu.dma_semaphore, #tpu.memory_space<semaphore_mem>>)
    %dma_start3A_36 = arith.constant 0 : i32
    %dma_start3A_37 = arith.constant 0 : i32
    %dma_start3A_38 = tpu.memref_slice %arg2[%add3A_14, %dma_start3A_37] : memref<16384x4096xf32, #tpu.memory_space<hbm>> -> memref<1x4096xf32, #tpu.memory_space<hbm>>
    %dma_start3A_39 = tpu.memref_squeeze %dma_start3A_38 : memref<1x4096xf32, #tpu.memory_space<hbm>> -> memref<4096xf32, #tpu.memory_space<hbm>>
    %dma_start3A_40 = tpu.memref_slice %arg22[%dma_start3A_36] : memref<2x!tpu.dma_semaphore, #tpu.memory_space<semaphore_mem>> -> memref<1x!tpu.dma_semaphore, #tpu.memory_space<semaphore_mem>>
    %dma_start3A_41 = tpu.memref_squeeze %dma_start3A_40 : memref<1x!tpu.dma_semaphore, #tpu.memory_space<semaphore_mem>> -> memref<!tpu.dma_semaphore, #tpu.memory_space<semaphore_mem>>
    %dma_start3A_42 = arith.constant 0 : i32
    %dma_start3A_43 = tpu.memref_slice %arg2[%add3A_14, %dma_start3A_42] : memref<16384x4096xf32, #tpu.memory_space<hbm>> -> memref<1x4096xf32, #tpu.memory_space<hbm>>
    %dma_start3A_44 = tpu.memref_squeeze %dma_start3A_43 : memref<1x4096xf32, #tpu.memory_space<hbm>> -> memref<4096xf32, #tpu.memory_space<hbm>>
    tpu.enqueue_dma source(%dma_start3A_44 : memref<4096xf32, #tpu.memory_space<hbm>>) target(%arg8 : memref<4096xf32, #tpu.memory_space<vmem>>) target_semaphore(%dma_start3A_41 : memref<!tpu.dma_semaphore, #tpu.memory_space<semaphore_mem>>)
    %dma_start3A_45 = arith.constant 0 : i32
    %dma_start3A_46 = arith.constant 0 : i32
    %dma_start3A_47 = tpu.memref_slice %arg2[%add3A_18, %dma_start3A_46] : memref<16384x4096xf32, #tpu.memory_space<hbm>> -> memref<1x4096xf32, #tpu.memory_space<hbm>>
    %dma_start3A_48 = tpu.memref_squeeze %dma_start3A_47 : memref<1x4096xf32, #tpu.memory_space<hbm>> -> memref<4096xf32, #tpu.memory_space<hbm>>
    %dma_start3A_49 = tpu.memref_slice %arg22[%dma_start3A_45] : memref<2x!tpu.dma_semaphore, #tpu.memory_space<semaphore_mem>> -> memref<1x!tpu.dma_semaphore, #tpu.memory_space<semaphore_mem>>
    %dma_start3A_50 = tpu.memref_squeeze %dma_start3A_49 : memref<1x!tpu.dma_semaphore, #tpu.memory_space<semaphore_mem>> -> memref<!tpu.dma_semaphore, #tpu.memory_space<semaphore_mem>>
    %dma_start3A_51 = arith.constant 0 : i32
    %dma_start3A_52 = tpu.memref_slice %arg2[%add3A_18, %dma_start3A_51] : memref<16384x4096xf32, #tpu.memory_space<hbm>> -> memref<1x4096xf32, #tpu.memory_space<hbm>>
    %dma_start3A_53 = tpu.memref_squeeze %dma_start3A_52 : memref<1x4096xf32, #tpu.memory_space<hbm>> -> memref<4096xf32, #tpu.memory_space<hbm>>
    tpu.enqueue_dma source(%dma_start3A_53 : memref<4096xf32, #tpu.memory_space<hbm>>) target(%arg9 : memref<4096xf32, #tpu.memory_space<vmem>>) target_semaphore(%dma_start3A_50 : memref<!tpu.dma_semaphore, #tpu.memory_space<semaphore_mem>>)
    %add3A_54 = arith.constant 4 : i32
    %add3A_55 = arith.addi %mul3A_2, %add3A_54 : i32
    %add3A_56 = arith.constant 0 : i32
    %add3A_57 = arith.addi %add3A_55, %add3A_56 : i32
    %add3A_58 = arith.constant 4 : i32
    %add3A_59 = arith.addi %mul3A_2, %add3A_58 : i32
    %add3A_60 = arith.constant 1 : i32
    %add3A_61 = arith.addi %add3A_59, %add3A_60 : i32
    %add3A_62 = arith.constant 4 : i32
    %add3A_63 = arith.addi %mul3A_2, %add3A_62 : i32
    %add3A_64 = arith.constant 2 : i32
    %add3A_65 = arith.addi %add3A_63, %add3A_64 : i32
    %add3A_66 = arith.constant 4 : i32
    %add3A_67 = arith.addi %mul3A_2, %add3A_66 : i32
    %add3A_68 = arith.constant 3 : i32
    %add3A_69 = arith.addi %add3A_67, %add3A_68 : i32
    %dma_start3A_70 = arith.constant 1 : i32
    %dma_start3A_71 = arith.constant 0 : i32
    %dma_start3A_72 = tpu.memref_slice %arg2[%add3A_57, %dma_start3A_71] : memref<16384x4096xf32, #tpu.memory_space<hbm>> -> memref<1x4096xf32, #tpu.memory_space<hbm>>
    %dma_start3A_73 = tpu.memref_squeeze %dma_start3A_72 : memref<1x4096xf32, #tpu.memory_space<hbm>> -> memref<4096xf32, #tpu.memory_space<hbm>>
    %dma_start3A_74 = tpu.memref_slice %arg22[%dma_start3A_70] : memref<2x!tpu.dma_semaphore, #tpu.memory_space<semaphore_mem>> -> memref<1x!tpu.dma_semaphore, #tpu.memory_space<semaphore_mem>>
    %dma_start3A_75 = tpu.memref_squeeze %dma_start3A_74 : memref<1x!tpu.dma_semaphore, #tpu.memory_space<semaphore_mem>> -> memref<!tpu.dma_semaphore, #tpu.memory_space<semaphore_mem>>
    %dma_start3A_76 = arith.constant 0 : i32
    %dma_start3A_77 = tpu.memref_slice %arg2[%add3A_57, %dma_start3A_76] : memref<16384x4096xf32, #tpu.memory_space<hbm>> -> memref<1x4096xf32, #tpu.memory_space<hbm>>
    %dma_start3A_78 = tpu.memref_squeeze %dma_start3A_77 : memref<1x4096xf32, #tpu.memory_space<hbm>> -> memref<4096xf32, #tpu.memory_space<hbm>>
    tpu.enqueue_dma source(%dma_start3A_78 : memref<4096xf32, #tpu.memory_space<hbm>>) target(%arg10 : memref<4096xf32, #tpu.memory_space<vmem>>) target_semaphore(%dma_start3A_75 : memref<!tpu.dma_semaphore, #tpu.memory_space<semaphore_mem>>)
    %dma_start3A_79 = arith.constant 1 : i32
    %dma_start3A_80 = arith.constant 0 : i32
    %dma_start3A_81 = tpu.memref_slice %arg2[%add3A_61, %dma_start3A_80] : memref<16384x4096xf32, #tpu.memory_space<hbm>> -> memref<1x4096xf32, #tpu.memory_space<hbm>>
    %dma_start3A_82 = tpu.memref_squeeze %dma_start3A_81 : memref<1x4096xf32, #tpu.memory_space<hbm>> -> memref<4096xf32, #tpu.memory_space<hbm>>
    %dma_start3A_83 = tpu.memref_slice %arg22[%dma_start3A_79] : memref<2x!tpu.dma_semaphore, #tpu.memory_space<semaphore_mem>> -> memref<1x!tpu.dma_semaphore, #tpu.memory_space<semaphore_mem>>
    %dma_start3A_84 = tpu.memref_squeeze %dma_start3A_83 : memref<1x!tpu.dma_semaphore, #tpu.memory_space<semaphore_mem>> -> memref<!tpu.dma_semaphore, #tpu.memory_space<semaphore_mem>>
    %dma_start3A_85 = arith.constant 0 : i32
    %dma_start3A_86 = tpu.memref_slice %arg2[%add3A_61, %dma_start3A_85] : memref<16384x4096xf32, #tpu.memory_space<hbm>> -> memref<1x4096xf32, #tpu.memory_space<hbm>>
    %dma_start3A_87 = tpu.memref_squeeze %dma_start3A_86 : memref<1x4096xf32, #tpu.memory_space<hbm>> -> memref<4096xf32, #tpu.memory_space<hbm>>
    tpu.enqueue_dma source(%dma_start3A_87 : memref<4096xf32, #tpu.memory_space<hbm>>) target(%arg11 : memref<4096xf32, #tpu.memory_space<vmem>>) target_semaphore(%dma_start3A_84 : memref<!tpu.dma_semaphore, #tpu.memory_space<semaphore_mem>>)
    %dma_start3A_88 = arith.constant 1 : i32
    %dma_start3A_89 = arith.constant 0 : i32
    %dma_start3A_90 = tpu.memref_slice %arg2[%add3A_65, %dma_start3A_89] : memref<16384x4096xf32, #tpu.memory_space<hbm>> -> memref<1x4096xf32, #tpu.memory_space<hbm>>
    %dma_start3A_91 = tpu.memref_squeeze %dma_start3A_90 : memref<1x4096xf32, #tpu.memory_space<hbm>> -> memref<4096xf32, #tpu.memory_space<hbm>>
    %dma_start3A_92 = tpu.memref_slice %arg22[%dma_start3A_88] : memref<2x!tpu.dma_semaphore, #tpu.memory_space<semaphore_mem>> -> memref<1x!tpu.dma_semaphore, #tpu.memory_space<semaphore_mem>>
    %dma_start3A_93 = tpu.memref_squeeze %dma_start3A_92 : memref<1x!tpu.dma_semaphore, #tpu.memory_space<semaphore_mem>> -> memref<!tpu.dma_semaphore, #tpu.memory_space<semaphore_mem>>
    %dma_start3A_94 = arith.constant 0 : i32
    %dma_start3A_95 = tpu.memref_slice %arg2[%add3A_65, %dma_start3A_94] : memref<16384x4096xf32, #tpu.memory_space<hbm>> -> memref<1x4096xf32, #tpu.memory_space<hbm>>
    %dma_start3A_96 = tpu.memref_squeeze %dma_start3A_95 : memref<1x4096xf32, #tpu.memory_space<hbm>> -> memref<4096xf32, #tpu.memory_space<hbm>>
    tpu.enqueue_dma source(%dma_start3A_96 : memref<4096xf32, #tpu.memory_space<hbm>>) target(%arg12 : memref<4096xf32, #tpu.memory_space<vmem>>) target_semaphore(%dma_start3A_93 : memref<!tpu.dma_semaphore, #tpu.memory_space<semaphore_mem>>)
    %dma_start3A_97 = arith.constant 1 : i32
    %dma_start3A_98 = arith.constant 0 : i32
    %dma_start3A_99 = tpu.memref_slice %arg2[%add3A_69, %dma_start3A_98] : memref<16384x4096xf32, #tpu.memory_space<hbm>> -> memref<1x4096xf32, #tpu.memory_space<hbm>>
    %dma_start3A_100 = tpu.memref_squeeze %dma_start3A_99 : memref<1x4096xf32, #tpu.memory_space<hbm>> -> memref<4096xf32, #tpu.memory_space<hbm>>
    %dma_start3A_101 = tpu.memref_slice %arg22[%dma_start3A_97] : memref<2x!tpu.dma_semaphore, #tpu.memory_space<semaphore_mem>> -> memref<1x!tpu.dma_semaphore, #tpu.memory_space<semaphore_mem>>
    %dma_start3A_102 = tpu.memref_squeeze %dma_start3A_101 : memref<1x!tpu.dma_semaphore, #tpu.memory_space<semaphore_mem>> -> memref<!tpu.dma_semaphore, #tpu.memory_space<semaphore_mem>>
    %dma_start3A_103 = arith.constant 0 : i32
    %dma_start3A_104 = tpu.memref_slice %arg2[%add3A_69, %dma_start3A_103] : memref<16384x4096xf32, #tpu.memory_space<hbm>> -> memref<1x4096xf32, #tpu.memory_space<hbm>>
    %dma_start3A_105 = tpu.memref_squeeze %dma_start3A_104 : memref<1x4096xf32, #tpu.memory_space<hbm>> -> memref<4096xf32, #tpu.memory_space<hbm>>
    tpu.enqueue_dma source(%dma_start3A_105 : memref<4096xf32, #tpu.memory_space<hbm>>) target(%arg13 : memref<4096xf32, #tpu.memory_space<vmem>>) target_semaphore(%dma_start3A_102 : memref<!tpu.dma_semaphore, #tpu.memory_space<semaphore_mem>>)
    "tpu.region"() ({
      %run_scoped3A = tpu.sem_alloc : memref<!tpu.dma_semaphore, #tpu.memory_space<semaphore_mem>>
      tpu.enqueue_dma source(%arg3 : memref<4096xi32, #tpu.memory_space<hbm>>) target(%arg5 : memref<4096xi32, #tpu.memory_space<vmem>>) target_semaphore(%run_scoped3A : memref<!tpu.dma_semaphore, #tpu.memory_space<semaphore_mem>>)
      tpu.wait_dma2 semaphore(%run_scoped3A : memref<!tpu.dma_semaphore, #tpu.memory_space<semaphore_mem>>) src(%arg3 : memref<4096xi32, #tpu.memory_space<hbm>>) dst(%arg5 : memref<4096xi32, #tpu.memory_space<vmem>>)
      tpu.yield
    }) : () -> ()
    %scan3A = arith.constant 0 : i32
    %scan3A_106 = arith.constant 64 : i32
    %scan3A_107 = arith.addi %scan3A, %scan3A_106 : i32
    %scan3A_108 = arith.constant 1 : i32
    scf.for %scan3A_213 = %scan3A to %scan3A_107 step %scan3A_108  : i32 {
      %mul3A_214 = arith.constant 2 : i32
      %mul3A_215 = arith.muli %scan3A_213, %mul3A_214 : i32
      %add3A_216 = arith.constant 0 : i32
      %add3A_217 = arith.addi %add3A_216, %mul3A_215 : i32
      %add3A_218 = arith.constant 0 : i32
      %add3A_219 = arith.addi %add3A_217, %add3A_218 : i32
      %mul3A_220 = arith.constant 4 : i32
      %mul3A_221 = arith.muli %add3A_219, %mul3A_220 : i32
      %add3A_222 = arith.addi %mul3A_2, %mul3A_221 : i32
      %add3A_223 = arith.constant 0 : i32
      %add3A_224 = arith.addi %add3A_222, %add3A_223 : i32
      %mul3A_225 = arith.constant 4 : i32
      %mul3A_226 = arith.muli %add3A_219, %mul3A_225 : i32
      %add3A_227 = arith.addi %mul3A_2, %mul3A_226 : i32
      %add3A_228 = arith.constant 1 : i32
      %add3A_229 = arith.addi %add3A_227, %add3A_228 : i32
      %mul3A_230 = arith.constant 4 : i32
      %mul3A_231 = arith.muli %add3A_219, %mul3A_230 : i32
      %add3A_232 = arith.addi %mul3A_2, %mul3A_231 : i32
      %add3A_233 = arith.constant 2 : i32
      %add3A_234 = arith.addi %add3A_232, %add3A_233 : i32
      %mul3A_235 = arith.constant 4 : i32
      %mul3A_236 = arith.muli %add3A_219, %mul3A_235 : i32
      %add3A_237 = arith.addi %mul3A_2, %mul3A_236 : i32
      %add3A_238 = arith.constant 3 : i32
      %add3A_239 = arith.addi %add3A_237, %add3A_238 : i32
      %dma_wait3A_240 = arith.constant 0 : i32
      %dma_wait3A_241 = arith.constant 0 : i32
      %dma_wait3A_242 = tpu.memref_slice %arg2[%add3A_224, %dma_wait3A_241] : memref<16384x4096xf32, #tpu.memory_space<hbm>> -> memref<1x4096xf32, #tpu.memory_space<hbm>>
      %dma_wait3A_243 = tpu.memref_squeeze %dma_wait3A_242 : memref<1x4096xf32, #tpu.memory_space<hbm>> -> memref<4096xf32, #tpu.memory_space<hbm>>
      %dma_wait3A_244 = tpu.memref_slice %arg22[%dma_wait3A_240] : memref<2x!tpu.dma_semaphore, #tpu.memory_space<semaphore_mem>> -> memref<1x!tpu.dma_semaphore, #tpu.memory_space<semaphore_mem>>
      %dma_wait3A_245 = tpu.memref_squeeze %dma_wait3A_244 : memref<1x!tpu.dma_semaphore, #tpu.memory_space<semaphore_mem>> -> memref<!tpu.dma_semaphore, #tpu.memory_space<semaphore_mem>>
      %dma_wait3A_246 = arith.constant 0 : i32
      %dma_wait3A_247 = tpu.memref_slice %arg2[%add3A_224, %dma_wait3A_246] : memref<16384x4096xf32, #tpu.memory_space<hbm>> -> memref<1x4096xf32, #tpu.memory_space<hbm>>
      %dma_wait3A_248 = tpu.memref_squeeze %dma_wait3A_247 : memref<1x4096xf32, #tpu.memory_space<hbm>> -> memref<4096xf32, #tpu.memory_space<hbm>>
      tpu.wait_dma2 semaphore(%dma_wait3A_245 : memref<!tpu.dma_semaphore, #tpu.memory_space<semaphore_mem>>) src(%dma_wait3A_248 : memref<4096xf32, #tpu.memory_space<hbm>>) dst(%arg6 : memref<4096xf32, #tpu.memory_space<vmem>>)
      %dma_wait3A_249 = arith.constant 0 : i32
      %dma_wait3A_250 = arith.constant 0 : i32
      %dma_wait3A_251 = tpu.memref_slice %arg2[%add3A_229, %dma_wait3A_250] : memref<16384x4096xf32, #tpu.memory_space<hbm>> -> memref<1x4096xf32, #tpu.memory_space<hbm>>
      %dma_wait3A_252 = tpu.memref_squeeze %dma_wait3A_251 : memref<1x4096xf32, #tpu.memory_space<hbm>> -> memref<4096xf32, #tpu.memory_space<hbm>>
      %dma_wait3A_253 = tpu.memref_slice %arg22[%dma_wait3A_249] : memref<2x!tpu.dma_semaphore, #tpu.memory_space<semaphore_mem>> -> memref<1x!tpu.dma_semaphore, #tpu.memory_space<semaphore_mem>>
      %dma_wait3A_254 = tpu.memref_squeeze %dma_wait3A_253 : memref<1x!tpu.dma_semaphore, #tpu.memory_space<semaphore_mem>> -> memref<!tpu.dma_semaphore, #tpu.memory_space<semaphore_mem>>
      %dma_wait3A_255 = arith.constant 0 : i32
      %dma_wait3A_256 = tpu.memref_slice %arg2[%add3A_229, %dma_wait3A_255] : memref<16384x4096xf32, #tpu.memory_space<hbm>> -> memref<1x4096xf32, #tpu.memory_space<hbm>>
      %dma_wait3A_257 = tpu.memref_squeeze %dma_wait3A_256 : memref<1x4096xf32, #tpu.memory_space<hbm>> -> memref<4096xf32, #tpu.memory_space<hbm>>
      tpu.wait_dma2 semaphore(%dma_wait3A_254 : memref<!tpu.dma_semaphore, #tpu.memory_space<semaphore_mem>>) src(%dma_wait3A_257 : memref<4096xf32, #tpu.memory_space<hbm>>) dst(%arg7 : memref<4096xf32, #tpu.memory_space<vmem>>)
      %dma_wait3A_258 = arith.constant 0 : i32
      %dma_wait3A_259 = arith.constant 0 : i32
      %dma_wait3A_260 = tpu.memref_slice %arg2[%add3A_234, %dma_wait3A_259] : memref<16384x4096xf32, #tpu.memory_space<hbm>> -> memref<1x4096xf32, #tpu.memory_space<hbm>>
      %dma_wait3A_261 = tpu.memref_squeeze %dma_wait3A_260 : memref<1x4096xf32, #tpu.memory_space<hbm>> -> memref<4096xf32, #tpu.memory_space<hbm>>
      %dma_wait3A_262 = tpu.memref_slice %arg22[%dma_wait3A_258] : memref<2x!tpu.dma_semaphore, #tpu.memory_space<semaphore_mem>> -> memref<1x!tpu.dma_semaphore, #tpu.memory_space<semaphore_mem>>
      %dma_wait3A_263 = tpu.memref_squeeze %dma_wait3A_262 : memref<1x!tpu.dma_semaphore, #tpu.memory_space<semaphore_mem>> -> memref<!tpu.dma_semaphore, #tpu.memory_space<semaphore_mem>>
      %dma_wait3A_264 = arith.constant 0 : i32
      %dma_wait3A_265 = tpu.memref_slice %arg2[%add3A_234, %dma_wait3A_264] : memref<16384x4096xf32, #tpu.memory_space<hbm>> -> memref<1x4096xf32, #tpu.memory_space<hbm>>
      %dma_wait3A_266 = tpu.memref_squeeze %dma_wait3A_265 : memref<1x4096xf32, #tpu.memory_space<hbm>> -> memref<4096xf32, #tpu.memory_space<hbm>>
      tpu.wait_dma2 semaphore(%dma_wait3A_263 : memref<!tpu.dma_semaphore, #tpu.memory_space<semaphore_mem>>) src(%dma_wait3A_266 : memref<4096xf32, #tpu.memory_space<hbm>>) dst(%arg8 : memref<4096xf32, #tpu.memory_space<vmem>>)
      %dma_wait3A_267 = arith.constant 0 : i32
      %dma_wait3A_268 = arith.constant 0 : i32
      %dma_wait3A_269 = tpu.memref_slice %arg2[%add3A_239, %dma_wait3A_268] : memref<16384x4096xf32, #tpu.memory_space<hbm>> -> memref<1x4096xf32, #tpu.memory_space<hbm>>
      %dma_wait3A_270 = tpu.memref_squeeze %dma_wait3A_269 : memref<1x4096xf32, #tpu.memory_space<hbm>> -> memref<4096xf32, #tpu.memory_space<hbm>>
      %dma_wait3A_271 = tpu.memref_slice %arg22[%dma_wait3A_267] : memref<2x!tpu.dma_semaphore, #tpu.memory_space<semaphore_mem>> -> memref<1x!tpu.dma_semaphore, #tpu.memory_space<semaphore_mem>>
      %dma_wait3A_272 = tpu.memref_squeeze %dma_wait3A_271 : memref<1x!tpu.dma_semaphore, #tpu.memory_space<semaphore_mem>> -> memref<!tpu.dma_semaphore, #tpu.memory_space<semaphore_mem>>
      %dma_wait3A_273 = arith.constant 0 : i32
      %dma_wait3A_274 = tpu.memref_slice %arg2[%add3A_239, %dma_wait3A_273] : memref<16384x4096xf32, #tpu.memory_space<hbm>> -> memref<1x4096xf32, #tpu.memory_space<hbm>>
      %dma_wait3A_275 = tpu.memref_squeeze %dma_wait3A_274 : memref<1x4096xf32, #tpu.memory_space<hbm>> -> memref<4096xf32, #tpu.memory_space<hbm>>
      tpu.wait_dma2 semaphore(%dma_wait3A_272 : memref<!tpu.dma_semaphore, #tpu.memory_space<semaphore_mem>>) src(%dma_wait3A_275 : memref<4096xf32, #tpu.memory_space<hbm>>) dst(%arg9 : memref<4096xf32, #tpu.memory_space<vmem>>)
      %ge3A = arith.constant 2 : i32
      %ge3A_276 = arith.cmpi sge, %add3A_219, %ge3A : i32
      %convert_element_type3A = arith.extui %ge3A_276 : i1 to i32
      %cond3A = arith.constant 0 : i32
      %cond3A_277 = arith.cmpi ne, %convert_element_type3A, %cond3A : i32
      scf.if %cond3A_277 {
        %sub3A = arith.constant 2 : i32
        %sub3A_471 = arith.subi %add3A_219, %sub3A : i32
        %mul3A_472 = arith.constant 4 : i32
        %mul3A_473 = arith.muli %sub3A_471, %mul3A_472 : i32
        %add3A_474 = arith.addi %mul3A_2, %mul3A_473 : i32
        %add3A_475 = arith.constant 0 : i32
        %add3A_476 = arith.addi %add3A_474, %add3A_475 : i32
        %mul3A_477 = arith.constant 4 : i32
        %mul3A_478 = arith.muli %sub3A_471, %mul3A_477 : i32
        %add3A_479 = arith.addi %mul3A_2, %mul3A_478 : i32
        %add3A_480 = arith.constant 1 : i32
        %add3A_481 = arith.addi %add3A_479, %add3A_480 : i32
        %mul3A_482 = arith.constant 4 : i32
        %mul3A_483 = arith.muli %sub3A_471, %mul3A_482 : i32
        %add3A_484 = arith.addi %mul3A_2, %mul3A_483 : i32
        %add3A_485 = arith.constant 2 : i32
        %add3A_486 = arith.addi %add3A_484, %add3A_485 : i32
        %mul3A_487 = arith.constant 4 : i32
        %mul3A_488 = arith.muli %sub3A_471, %mul3A_487 : i32
        %add3A_489 = arith.addi %mul3A_2, %mul3A_488 : i32
        %add3A_490 = arith.constant 3 : i32
        %add3A_491 = arith.addi %add3A_489, %add3A_490 : i32
        %dma_wait3A_492 = arith.constant 0 : i32
        %dma_wait3A_493 = arith.constant 0 : i32
        %dma_wait3A_494 = tpu.memref_slice %arg4[%add3A_476, %dma_wait3A_493] : memref<16384x4096xf32, #tpu.memory_space<hbm>> -> memref<1x4096xf32, #tpu.memory_space<hbm>>
        %dma_wait3A_495 = tpu.memref_squeeze %dma_wait3A_494 : memref<1x4096xf32, #tpu.memory_space<hbm>> -> memref<4096xf32, #tpu.memory_space<hbm>>
        %dma_wait3A_496 = tpu.memref_slice %arg23[%dma_wait3A_492] : memref<2x!tpu.dma_semaphore, #tpu.memory_space<semaphore_mem>> -> memref<1x!tpu.dma_semaphore, #tpu.memory_space<semaphore_mem>>
        %dma_wait3A_497 = tpu.memref_squeeze %dma_wait3A_496 : memref<1x!tpu.dma_semaphore, #tpu.memory_space<semaphore_mem>> -> memref<!tpu.dma_semaphore, #tpu.memory_space<semaphore_mem>>
        %dma_wait3A_498 = arith.constant 0 : i32
        %dma_wait3A_499 = tpu.memref_slice %arg4[%add3A_476, %dma_wait3A_498] : memref<16384x4096xf32, #tpu.memory_space<hbm>> -> memref<1x4096xf32, #tpu.memory_space<hbm>>
        %dma_wait3A_500 = tpu.memref_squeeze %dma_wait3A_499 : memref<1x4096xf32, #tpu.memory_space<hbm>> -> memref<4096xf32, #tpu.memory_space<hbm>>
        tpu.wait_dma2 semaphore(%dma_wait3A_497 : memref<!tpu.dma_semaphore, #tpu.memory_space<semaphore_mem>>) src(%arg14 : memref<4096xf32, #tpu.memory_space<vmem>>) dst(%dma_wait3A_500 : memref<4096xf32, #tpu.memory_space<hbm>>)
        %dma_wait3A_501 = arith.constant 0 : i32
        %dma_wait3A_502 = arith.constant 0 : i32
        %dma_wait3A_503 = tpu.memref_slice %arg4[%add3A_481, %dma_wait3A_502] : memref<16384x4096xf32, #tpu.memory_space<hbm>> -> memref<1x4096xf32, #tpu.memory_space<hbm>>
        %dma_wait3A_504 = tpu.memref_squeeze %dma_wait3A_503 : memref<1x4096xf32, #tpu.memory_space<hbm>> -> memref<4096xf32, #tpu.memory_space<hbm>>
        %dma_wait3A_505 = tpu.memref_slice %arg23[%dma_wait3A_501] : memref<2x!tpu.dma_semaphore, #tpu.memory_space<semaphore_mem>> -> memref<1x!tpu.dma_semaphore, #tpu.memory_space<semaphore_mem>>
        %dma_wait3A_506 = tpu.memref_squeeze %dma_wait3A_505 : memref<1x!tpu.dma_semaphore, #tpu.memory_space<semaphore_mem>> -> memref<!tpu.dma_semaphore, #tpu.memory_space<semaphore_mem>>
        %dma_wait3A_507 = arith.constant 0 : i32
        %dma_wait3A_508 = tpu.memref_slice %arg4[%add3A_481, %dma_wait3A_507] : memref<16384x4096xf32, #tpu.memory_space<hbm>> -> memref<1x4096xf32, #tpu.memory_space<hbm>>
        %dma_wait3A_509 = tpu.memref_squeeze %dma_wait3A_508 : memref<1x4096xf32, #tpu.memory_space<hbm>> -> memref<4096xf32, #tpu.memory_space<hbm>>
        tpu.wait_dma2 semaphore(%dma_wait3A_506 : memref<!tpu.dma_semaphore, #tpu.memory_space<semaphore_mem>>) src(%arg15 : memref<4096xf32, #tpu.memory_space<vmem>>) dst(%dma_wait3A_509 : memref<4096xf32, #tpu.memory_space<hbm>>)
        %dma_wait3A_510 = arith.constant 0 : i32
        %dma_wait3A_511 = arith.constant 0 : i32
        %dma_wait3A_512 = tpu.memref_slice %arg4[%add3A_486, %dma_wait3A_511] : memref<16384x4096xf32, #tpu.memory_space<hbm>> -> memref<1x4096xf32, #tpu.memory_space<hbm>>
        %dma_wait3A_513 = tpu.memref_squeeze %dma_wait3A_512 : memref<1x4096xf32, #tpu.memory_space<hbm>> -> memref<4096xf32, #tpu.memory_space<hbm>>
        %dma_wait3A_514 = tpu.memref_slice %arg23[%dma_wait3A_510] : memref<2x!tpu.dma_semaphore, #tpu.memory_space<semaphore_mem>> -> memref<1x!tpu.dma_semaphore, #tpu.memory_space<semaphore_mem>>
        %dma_wait3A_515 = tpu.memref_squeeze %dma_wait3A_514 : memref<1x!tpu.dma_semaphore, #tpu.memory_space<semaphore_mem>> -> memref<!tpu.dma_semaphore, #tpu.memory_space<semaphore_mem>>
        %dma_wait3A_516 = arith.constant 0 : i32
        %dma_wait3A_517 = tpu.memref_slice %arg4[%add3A_486, %dma_wait3A_516] : memref<16384x4096xf32, #tpu.memory_space<hbm>> -> memref<1x4096xf32, #tpu.memory_space<hbm>>
        %dma_wait3A_518 = tpu.memref_squeeze %dma_wait3A_517 : memref<1x4096xf32, #tpu.memory_space<hbm>> -> memref<4096xf32, #tpu.memory_space<hbm>>
        tpu.wait_dma2 semaphore(%dma_wait3A_515 : memref<!tpu.dma_semaphore, #tpu.memory_space<semaphore_mem>>) src(%arg16 : memref<4096xf32, #tpu.memory_space<vmem>>) dst(%dma_wait3A_518 : memref<4096xf32, #tpu.memory_space<hbm>>)
        %dma_wait3A_519 = arith.constant 0 : i32
        %dma_wait3A_520 = arith.constant 0 : i32
        %dma_wait3A_521 = tpu.memref_slice %arg4[%add3A_491, %dma_wait3A_520] : memref<16384x4096xf32, #tpu.memory_space<hbm>> -> memref<1x4096xf32, #tpu.memory_space<hbm>>
        %dma_wait3A_522 = tpu.memref_squeeze %dma_wait3A_521 : memref<1x4096xf32, #tpu.memory_space<hbm>> -> memref<4096xf32, #tpu.memory_space<hbm>>
        %dma_wait3A_523 = tpu.memref_slice %arg23[%dma_wait3A_519] : memref<2x!tpu.dma_semaphore, #tpu.memory_space<semaphore_mem>> -> memref<1x!tpu.dma_semaphore, #tpu.memory_space<semaphore_mem>>
        %dma_wait3A_524 = tpu.memref_squeeze %dma_wait3A_523 : memref<1x!tpu.dma_semaphore, #tpu.memory_space<semaphore_mem>> -> memref<!tpu.dma_semaphore, #tpu.memory_space<semaphore_mem>>
        %dma_wait3A_525 = arith.constant 0 : i32
        %dma_wait3A_526 = tpu.memref_slice %arg4[%add3A_491, %dma_wait3A_525] : memref<16384x4096xf32, #tpu.memory_space<hbm>> -> memref<1x4096xf32, #tpu.memory_space<hbm>>
        %dma_wait3A_527 = tpu.memref_squeeze %dma_wait3A_526 : memref<1x4096xf32, #tpu.memory_space<hbm>> -> memref<4096xf32, #tpu.memory_space<hbm>>
        tpu.wait_dma2 semaphore(%dma_wait3A_524 : memref<!tpu.dma_semaphore, #tpu.memory_space<semaphore_mem>>) src(%arg17 : memref<4096xf32, #tpu.memory_space<vmem>>) dst(%dma_wait3A_527 : memref<4096xf32, #tpu.memory_space<hbm>>)
      } else {
      }
      %parallel_loop3A = arith.constant 0 : i32
      %parallel_loop3A_278 = arith.constant 4096 : i32
      %parallel_loop3A_279 = arith.constant 32 : i32
      scf.for %parallel_loop3A_471 = %parallel_loop3A to %parallel_loop3A_278 step %parallel_loop3A_279  : i32 {
        %parallel_loop3A_472 = arith.constant 0 : i32
        %parallel_loop3A_473 = arith.addi %parallel_loop3A_471, %parallel_loop3A_472 : i32
        %parallel_loop3A_474 = arith.index_cast %parallel_loop3A_473 : i32 to index
        %parallel_loop3A_475 = tpu.vector_load %arg5[%parallel_loop3A_474] {strides = array<i32>} : memref<4096xi32, #tpu.memory_space<vmem>>, vector<16xi32>,
        %parallel_loop3A_476 = arith.constant 16 : i32
        %parallel_loop3A_477 = arith.addi %parallel_loop3A_471, %parallel_loop3A_476 : i32
        %parallel_loop3A_478 = arith.index_cast %parallel_loop3A_477 : i32 to index
        %parallel_loop3A_479 = tpu.vector_load %arg5[%parallel_loop3A_478] {strides = array<i32>} : memref<4096xi32, #tpu.memory_space<vmem>>, vector<16xi32>,
        %parallel_loop3A_480 = tpu.vector_load_idx %arg6[%parallel_loop3A_475] : memref<4096xf32, #tpu.memory_space<vmem>>[vector<16xi32>], vector<16xf32>,
        %parallel_loop3A_481 = tpu.vector_load_idx %arg7[%parallel_loop3A_475] : memref<4096xf32, #tpu.memory_space<vmem>>[vector<16xi32>], vector<16xf32>,
        %parallel_loop3A_482 = tpu.vector_load_idx %arg8[%parallel_loop3A_475] : memref<4096xf32, #tpu.memory_space<vmem>>[vector<16xi32>], vector<16xf32>,
        %parallel_loop3A_483 = tpu.vector_load_idx %arg9[%parallel_loop3A_475] : memref<4096xf32, #tpu.memory_space<vmem>>[vector<16xi32>], vector<16xf32>,
        %parallel_loop3A_484 = tpu.vector_load_idx %arg6[%parallel_loop3A_479] : memref<4096xf32, #tpu.memory_space<vmem>>[vector<16xi32>], vector<16xf32>,
        %parallel_loop3A_485 = tpu.vector_load_idx %arg7[%parallel_loop3A_479] : memref<4096xf32, #tpu.memory_space<vmem>>[vector<16xi32>], vector<16xf32>,
        %parallel_loop3A_486 = tpu.vector_load_idx %arg8[%parallel_loop3A_479] : memref<4096xf32, #tpu.memory_space<vmem>>[vector<16xi32>], vector<16xf32>,
        %parallel_loop3A_487 = tpu.vector_load_idx %arg9[%parallel_loop3A_479] : memref<4096xf32, #tpu.memory_space<vmem>>[vector<16xi32>], vector<16xf32>,
        %parallel_loop3A_488 = arith.constant 0 : i32
        %parallel_loop3A_489 = arith.addi %parallel_loop3A_471, %parallel_loop3A_488 : i32
        %parallel_loop3A_490 = arith.index_cast %parallel_loop3A_489 : i32 to index
        %parallel_loop3A_491 = tpu.vector_load %arg14[%parallel_loop3A_490] {strides = array<i32>} : memref<4096xf32, #tpu.memory_space<vmem>>, vector<16xf32>,
        tpu.vector_store %arg14[%parallel_loop3A_490], %parallel_loop3A_480 {strides = array<i32>} : memref<4096xf32, #tpu.memory_space<vmem>>, vector<16xf32>,
        %parallel_loop3A_492 = arith.constant 0 : i32
        %parallel_loop3A_493 = arith.addi %parallel_loop3A_471, %parallel_loop3A_492 : i32
        %parallel_loop3A_494 = arith.index_cast %parallel_loop3A_493 : i32 to index
        %parallel_loop3A_495 = tpu.vector_load %arg15[%parallel_loop3A_494] {strides = array<i32>} : memref<4096xf32, #tpu.memory_space<vmem>>, vector<16xf32>,
        tpu.vector_store %arg15[%parallel_loop3A_494], %parallel_loop3A_481 {strides = array<i32>} : memref<4096xf32, #tpu.memory_space<vmem>>, vector<16xf32>,
        %parallel_loop3A_496 = arith.constant 0 : i32
        %parallel_loop3A_497 = arith.addi %parallel_loop3A_471, %parallel_loop3A_496 : i32
        %parallel_loop3A_498 = arith.index_cast %parallel_loop3A_497 : i32 to index
        %parallel_loop3A_499 = tpu.vector_load %arg16[%parallel_loop3A_498] {strides = array<i32>} : memref<4096xf32, #tpu.memory_space<vmem>>, vector<16xf32>,
        tpu.vector_store %arg16[%parallel_loop3A_498], %parallel_loop3A_482 {strides = array<i32>} : memref<4096xf32, #tpu.memory_space<vmem>>, vector<16xf32>,
        %parallel_loop3A_500 = arith.constant 0 : i32
        %parallel_loop3A_501 = arith.addi %parallel_loop3A_471, %parallel_loop3A_500 : i32
        %parallel_loop3A_502 = arith.index_cast %parallel_loop3A_501 : i32 to index
        %parallel_loop3A_503 = tpu.vector_load %arg17[%parallel_loop3A_502] {strides = array<i32>} : memref<4096xf32, #tpu.memory_space<vmem>>, vector<16xf32>,
        tpu.vector_store %arg17[%parallel_loop3A_502], %parallel_loop3A_483 {strides = array<i32>} : memref<4096xf32, #tpu.memory_space<vmem>>, vector<16xf32>,
        %parallel_loop3A_504 = arith.constant 16 : i32
        %parallel_loop3A_505 = arith.addi %parallel_loop3A_471, %parallel_loop3A_504 : i32
        %parallel_loop3A_506 = arith.index_cast %parallel_loop3A_505 : i32 to index
        %parallel_loop3A_507 = tpu.vector_load %arg14[%parallel_loop3A_506] {strides = array<i32>} : memref<4096xf32, #tpu.memory_space<vmem>>, vector<16xf32>,
        tpu.vector_store %arg14[%parallel_loop3A_506], %parallel_loop3A_484 {strides = array<i32>} : memref<4096xf32, #tpu.memory_space<vmem>>, vector<16xf32>,
        %parallel_loop3A_508 = arith.constant 16 : i32
        %parallel_loop3A_509 = arith.addi %parallel_loop3A_471, %parallel_loop3A_508 : i32
        %parallel_loop3A_510 = arith.index_cast %parallel_loop3A_509 : i32 to index
        %parallel_loop3A_511 = tpu.vector_load %arg15[%parallel_loop3A_510] {strides = array<i32>} : memref<4096xf32, #tpu.memory_space<vmem>>, vector<16xf32>,
        tpu.vector_store %arg15[%parallel_loop3A_510], %parallel_loop3A_485 {strides = array<i32>} : memref<4096xf32, #tpu.memory_space<vmem>>, vector<16xf32>,
        %parallel_loop3A_512 = arith.constant 16 : i32
        %parallel_loop3A_513 = arith.addi %parallel_loop3A_471, %parallel_loop3A_512 : i32
        %parallel_loop3A_514 = arith.index_cast %parallel_loop3A_513 : i32 to index
        %parallel_loop3A_515 = tpu.vector_load %arg16[%parallel_loop3A_514] {strides = array<i32>} : memref<4096xf32, #tpu.memory_space<vmem>>, vector<16xf32>,
        tpu.vector_store %arg16[%parallel_loop3A_514], %parallel_loop3A_486 {strides = array<i32>} : memref<4096xf32, #tpu.memory_space<vmem>>, vector<16xf32>,
        %parallel_loop3A_516 = arith.constant 16 : i32
        %parallel_loop3A_517 = arith.addi %parallel_loop3A_471, %parallel_loop3A_516 : i32
        %parallel_loop3A_518 = arith.index_cast %parallel_loop3A_517 : i32 to index
        %parallel_loop3A_519 = tpu.vector_load %arg17[%parallel_loop3A_518] {strides = array<i32>} : memref<4096xf32, #tpu.memory_space<vmem>>, vector<16xf32>,
        tpu.vector_store %arg17[%parallel_loop3A_518], %parallel_loop3A_487 {strides = array<i32>} : memref<4096xf32, #tpu.memory_space<vmem>>, vector<16xf32>,
      } {sc.loop_unroll_factor = 2 : i64, sc.parallel_access}
      %mul3A_280 = arith.constant 4 : i32
      %mul3A_281 = arith.muli %add3A_219, %mul3A_280 : i32
      %add3A_282 = arith.addi %mul3A_2, %mul3A_281 : i32
      %add3A_283 = arith.constant 0 : i32
      %add3A_284 = arith.addi %add3A_282, %add3A_283 : i32
      %mul3A_285 = arith.constant 4 : i32
      %mul3A_286 = arith.muli %add3A_219, %mul3A_285 : i32
      %add3A_287 = arith.addi %mul3A_2, %mul3A_286 : i32
      %add3A_288 = arith.constant 1 : i32
      %add3A_289 = arith.addi %add3A_287, %add3A_288 : i32
      %mul3A_290 = arith.constant 4 : i32
      %mul3A_291 = arith.muli %add3A_219, %mul3A_290 : i32
      %add3A_292 = arith.addi %mul3A_2, %mul3A_291 : i32
      %add3A_293 = arith.constant 2 : i32
      %add3A_294 = arith.addi %add3A_292, %add3A_293 : i32
      %mul3A_295 = arith.constant 4 : i32
      %mul3A_296 = arith.muli %add3A_219, %mul3A_295 : i32
      %add3A_297 = arith.addi %mul3A_2, %mul3A_296 : i32
      %add3A_298 = arith.constant 3 : i32
      %add3A_299 = arith.addi %add3A_297, %add3A_298 : i32
      %dma_start3A_300 = arith.constant 0 : i32
      %dma_start3A_301 = arith.constant 0 : i32
      %dma_start3A_302 = tpu.memref_slice %arg4[%add3A_284, %dma_start3A_301] : memref<16384x4096xf32, #tpu.memory_space<hbm>> -> memref<1x4096xf32, #tpu.memory_space<hbm>>
      %dma_start3A_303 = tpu.memref_squeeze %dma_start3A_302 : memref<1x4096xf32, #tpu.memory_space<hbm>> -> memref<4096xf32, #tpu.memory_space<hbm>>
      %dma_start3A_304 = tpu.memref_slice %arg23[%dma_start3A_300] : memref<2x!tpu.dma_semaphore, #tpu.memory_space<semaphore_mem>> -> memref<1x!tpu.dma_semaphore, #tpu.memory_space<semaphore_mem>>
      %dma_start3A_305 = tpu.memref_squeeze %dma_start3A_304 : memref<1x!tpu.dma_semaphore, #tpu.memory_space<semaphore_mem>> -> memref<!tpu.dma_semaphore, #tpu.memory_space<semaphore_mem>>
      %dma_start3A_306 = arith.constant 0 : i32
      %dma_start3A_307 = tpu.memref_slice %arg4[%add3A_284, %dma_start3A_306] : memref<16384x4096xf32, #tpu.memory_space<hbm>> -> memref<1x4096xf32, #tpu.memory_space<hbm>>
      %dma_start3A_308 = tpu.memref_squeeze %dma_start3A_307 : memref<1x4096xf32, #tpu.memory_space<hbm>> -> memref<4096xf32, #tpu.memory_space<hbm>>
      tpu.enqueue_dma source(%arg14 : memref<4096xf32, #tpu.memory_space<vmem>>) target(%dma_start3A_308 : memref<4096xf32, #tpu.memory_space<hbm>>) target_semaphore(%dma_start3A_305 : memref<!tpu.dma_semaphore, #tpu.memory_space<semaphore_mem>>)
      %dma_start3A_309 = arith.constant 0 : i32
      %dma_start3A_310 = arith.constant 0 : i32
      %dma_start3A_311 = tpu.memref_slice %arg4[%add3A_289, %dma_start3A_310] : memref<16384x4096xf32, #tpu.memory_space<hbm>> -> memref<1x4096xf32, #tpu.memory_space<hbm>>
      %dma_start3A_312 = tpu.memref_squeeze %dma_start3A_311 : memref<1x4096xf32, #tpu.memory_space<hbm>> -> memref<4096xf32, #tpu.memory_space<hbm>>
      %dma_start3A_313 = tpu.memref_slice %arg23[%dma_start3A_309] : memref<2x!tpu.dma_semaphore, #tpu.memory_space<semaphore_mem>> -> memref<1x!tpu.dma_semaphore, #tpu.memory_space<semaphore_mem>>
      %dma_start3A_314 = tpu.memref_squeeze %dma_start3A_313 : memref<1x!tpu.dma_semaphore, #tpu.memory_space<semaphore_mem>> -> memref<!tpu.dma_semaphore, #tpu.memory_space<semaphore_mem>>
      %dma_start3A_315 = arith.constant 0 : i32
      %dma_start3A_316 = tpu.memref_slice %arg4[%add3A_289, %dma_start3A_315] : memref<16384x4096xf32, #tpu.memory_space<hbm>> -> memref<1x4096xf32, #tpu.memory_space<hbm>>
      %dma_start3A_317 = tpu.memref_squeeze %dma_start3A_316 : memref<1x4096xf32, #tpu.memory_space<hbm>> -> memref<4096xf32, #tpu.memory_space<hbm>>
      tpu.enqueue_dma source(%arg15 : memref<4096xf32, #tpu.memory_space<vmem>>) target(%dma_start3A_317 : memref<4096xf32, #tpu.memory_space<hbm>>) target_semaphore(%dma_start3A_314 : memref<!tpu.dma_semaphore, #tpu.memory_space<semaphore_mem>>)
      %dma_start3A_318 = arith.constant 0 : i32
      %dma_start3A_319 = arith.constant 0 : i32
      %dma_start3A_320 = tpu.memref_slice %arg4[%add3A_294, %dma_start3A_319] : memref<16384x4096xf32, #tpu.memory_space<hbm>> -> memref<1x4096xf32, #tpu.memory_space<hbm>>
      %dma_start3A_321 = tpu.memref_squeeze %dma_start3A_320 : memref<1x4096xf32, #tpu.memory_space<hbm>> -> memref<4096xf32, #tpu.memory_space<hbm>>
      %dma_start3A_322 = tpu.memref_slice %arg23[%dma_start3A_318] : memref<2x!tpu.dma_semaphore, #tpu.memory_space<semaphore_mem>> -> memref<1x!tpu.dma_semaphore, #tpu.memory_space<semaphore_mem>>
      %dma_start3A_323 = tpu.memref_squeeze %dma_start3A_322 : memref<1x!tpu.dma_semaphore, #tpu.memory_space<semaphore_mem>> -> memref<!tpu.dma_semaphore, #tpu.memory_space<semaphore_mem>>
      %dma_start3A_324 = arith.constant 0 : i32
      %dma_start3A_325 = tpu.memref_slice %arg4[%add3A_294, %dma_start3A_324] : memref<16384x4096xf32, #tpu.memory_space<hbm>> -> memref<1x4096xf32, #tpu.memory_space<hbm>>
      %dma_start3A_326 = tpu.memref_squeeze %dma_start3A_325 : memref<1x4096xf32, #tpu.memory_space<hbm>> -> memref<4096xf32, #tpu.memory_space<hbm>>
      tpu.enqueue_dma source(%arg16 : memref<4096xf32, #tpu.memory_space<vmem>>) target(%dma_start3A_326 : memref<4096xf32, #tpu.memory_space<hbm>>) target_semaphore(%dma_start3A_323 : memref<!tpu.dma_semaphore, #tpu.memory_space<semaphore_mem>>)
      %dma_start3A_327 = arith.constant 0 : i32
      %dma_start3A_328 = arith.constant 0 : i32
      %dma_start3A_329 = tpu.memref_slice %arg4[%add3A_299, %dma_start3A_328] : memref<16384x4096xf32, #tpu.memory_space<hbm>> -> memref<1x4096xf32, #tpu.memory_space<hbm>>
      %dma_start3A_330 = tpu.memref_squeeze %dma_start3A_329 : memref<1x4096xf32, #tpu.memory_space<hbm>> -> memref<4096xf32, #tpu.memory_space<hbm>>
      %dma_start3A_331 = tpu.memref_slice %arg23[%dma_start3A_327] : memref<2x!tpu.dma_semaphore, #tpu.memory_space<semaphore_mem>> -> memref<1x!tpu.dma_semaphore, #tpu.memory_space<semaphore_mem>>
      %dma_start3A_332 = tpu.memref_squeeze %dma_start3A_331 : memref<1x!tpu.dma_semaphore, #tpu.memory_space<semaphore_mem>> -> memref<!tpu.dma_semaphore, #tpu.memory_space<semaphore_mem>>
      %dma_start3A_333 = arith.constant 0 : i32
      %dma_start3A_334 = tpu.memref_slice %arg4[%add3A_299, %dma_start3A_333] : memref<16384x4096xf32, #tpu.memory_space<hbm>> -> memref<1x4096xf32, #tpu.memory_space<hbm>>
      %dma_start3A_335 = tpu.memref_squeeze %dma_start3A_334 : memref<1x4096xf32, #tpu.memory_space<hbm>> -> memref<4096xf32, #tpu.memory_space<hbm>>
      tpu.enqueue_dma source(%arg17 : memref<4096xf32, #tpu.memory_space<vmem>>) target(%dma_start3A_335 : memref<4096xf32, #tpu.memory_space<hbm>>) target_semaphore(%dma_start3A_332 : memref<!tpu.dma_semaphore, #tpu.memory_space<semaphore_mem>>)
      %add3A_336 = arith.constant 2 : i32
      %add3A_337 = arith.addi %add3A_219, %add3A_336 : i32
      %lt3A = arith.constant 128 : i32
      %lt3A_338 = arith.cmpi slt, %add3A_337, %lt3A : i32
      %convert_element_type3A_339 = arith.extui %lt3A_338 : i1 to i32
      %cond3A_340 = arith.constant 0 : i32
      %cond3A_341 = arith.cmpi ne, %convert_element_type3A_339, %cond3A_340 : i32
      scf.if %cond3A_341 {
        %add3A_471 = arith.constant 2 : i32
        %add3A_472 = arith.addi %add3A_219, %add3A_471 : i32
        %mul3A_473 = arith.constant 4 : i32
        %mul3A_474 = arith.muli %add3A_472, %mul3A_473 : i32
        %add3A_475 = arith.addi %mul3A_2, %mul3A_474 : i32
        %add3A_476 = arith.constant 0 : i32
        %add3A_477 = arith.addi %add3A_475, %add3A_476 : i32
        %mul3A_478 = arith.constant 4 : i32
        %mul3A_479 = arith.muli %add3A_472, %mul3A_478 : i32
        %add3A_480 = arith.addi %mul3A_2, %mul3A_479 : i32
        %add3A_481 = arith.constant 1 : i32
        %add3A_482 = arith.addi %add3A_480, %add3A_481 : i32
        %mul3A_483 = arith.constant 4 : i32
        %mul3A_484 = arith.muli %add3A_472, %mul3A_483 : i32
        %add3A_485 = arith.addi %mul3A_2, %mul3A_484 : i32
        %add3A_486 = arith.constant 2 : i32
        %add3A_487 = arith.addi %add3A_485, %add3A_486 : i32
        %mul3A_488 = arith.constant 4 : i32
        %mul3A_489 = arith.muli %add3A_472, %mul3A_488 : i32
        %add3A_490 = arith.addi %mul3A_2, %mul3A_489 : i32
        %add3A_491 = arith.constant 3 : i32
        %add3A_492 = arith.addi %add3A_490, %add3A_491 : i32
        %dma_start3A_493 = arith.constant 0 : i32
        %dma_start3A_494 = arith.constant 0 : i32
        %dma_start3A_495 = tpu.memref_slice %arg2[%add3A_477, %dma_start3A_494] : memref<16384x4096xf32, #tpu.memory_space<hbm>> -> memref<1x4096xf32, #tpu.memory_space<hbm>>
        %dma_start3A_496 = tpu.memref_squeeze %dma_start3A_495 : memref<1x4096xf32, #tpu.memory_space<hbm>> -> memref<4096xf32, #tpu.memory_space<hbm>>
        %dma_start3A_497 = tpu.memref_slice %arg22[%dma_start3A_493] : memref<2x!tpu.dma_semaphore, #tpu.memory_space<semaphore_mem>> -> memref<1x!tpu.dma_semaphore, #tpu.memory_space<semaphore_mem>>
        %dma_start3A_498 = tpu.memref_squeeze %dma_start3A_497 : memref<1x!tpu.dma_semaphore, #tpu.memory_space<semaphore_mem>> -> memref<!tpu.dma_semaphore, #tpu.memory_space<semaphore_mem>>
        %dma_start3A_499 = arith.constant 0 : i32
        %dma_start3A_500 = tpu.memref_slice %arg2[%add3A_477, %dma_start3A_499] : memref<16384x4096xf32, #tpu.memory_space<hbm>> -> memref<1x4096xf32, #tpu.memory_space<hbm>>
        %dma_start3A_501 = tpu.memref_squeeze %dma_start3A_500 : memref<1x4096xf32, #tpu.memory_space<hbm>> -> memref<4096xf32, #tpu.memory_space<hbm>>
        tpu.enqueue_dma source(%dma_start3A_501 : memref<4096xf32, #tpu.memory_space<hbm>>) target(%arg6 : memref<4096xf32, #tpu.memory_space<vmem>>) target_semaphore(%dma_start3A_498 : memref<!tpu.dma_semaphore, #tpu.memory_space<semaphore_mem>>)
        %dma_start3A_502 = arith.constant 0 : i32
        %dma_start3A_503 = arith.constant 0 : i32
        %dma_start3A_504 = tpu.memref_slice %arg2[%add3A_482, %dma_start3A_503] : memref<16384x4096xf32, #tpu.memory_space<hbm>> -> memref<1x4096xf32, #tpu.memory_space<hbm>>
        %dma_start3A_505 = tpu.memref_squeeze %dma_start3A_504 : memref<1x4096xf32, #tpu.memory_space<hbm>> -> memref<4096xf32, #tpu.memory_space<hbm>>
        %dma_start3A_506 = tpu.memref_slice %arg22[%dma_start3A_502] : memref<2x!tpu.dma_semaphore, #tpu.memory_space<semaphore_mem>> -> memref<1x!tpu.dma_semaphore, #tpu.memory_space<semaphore_mem>>
        %dma_start3A_507 = tpu.memref_squeeze %dma_start3A_506 : memref<1x!tpu.dma_semaphore, #tpu.memory_space<semaphore_mem>> -> memref<!tpu.dma_semaphore, #tpu.memory_space<semaphore_mem>>
        %dma_start3A_508 = arith.constant 0 : i32
        %dma_start3A_509 = tpu.memref_slice %arg2[%add3A_482, %dma_start3A_508] : memref<16384x4096xf32, #tpu.memory_space<hbm>> -> memref<1x4096xf32, #tpu.memory_space<hbm>>
        %dma_start3A_510 = tpu.memref_squeeze %dma_start3A_509 : memref<1x4096xf32, #tpu.memory_space<hbm>> -> memref<4096xf32, #tpu.memory_space<hbm>>
        tpu.enqueue_dma source(%dma_start3A_510 : memref<4096xf32, #tpu.memory_space<hbm>>) target(%arg7 : memref<4096xf32, #tpu.memory_space<vmem>>) target_semaphore(%dma_start3A_507 : memref<!tpu.dma_semaphore, #tpu.memory_space<semaphore_mem>>)
        %dma_start3A_511 = arith.constant 0 : i32
        %dma_start3A_512 = arith.constant 0 : i32
        %dma_start3A_513 = tpu.memref_slice %arg2[%add3A_487, %dma_start3A_512] : memref<16384x4096xf32, #tpu.memory_space<hbm>> -> memref<1x4096xf32, #tpu.memory_space<hbm>>
        %dma_start3A_514 = tpu.memref_squeeze %dma_start3A_513 : memref<1x4096xf32, #tpu.memory_space<hbm>> -> memref<4096xf32, #tpu.memory_space<hbm>>
        %dma_start3A_515 = tpu.memref_slice %arg22[%dma_start3A_511] : memref<2x!tpu.dma_semaphore, #tpu.memory_space<semaphore_mem>> -> memref<1x!tpu.dma_semaphore, #tpu.memory_space<semaphore_mem>>
        %dma_start3A_516 = tpu.memref_squeeze %dma_start3A_515 : memref<1x!tpu.dma_semaphore, #tpu.memory_space<semaphore_mem>> -> memref<!tpu.dma_semaphore, #tpu.memory_space<semaphore_mem>>
        %dma_start3A_517 = arith.constant 0 : i32
        %dma_start3A_518 = tpu.memref_slice %arg2[%add3A_487, %dma_start3A_517] : memref<16384x4096xf32, #tpu.memory_space<hbm>> -> memref<1x4096xf32, #tpu.memory_space<hbm>>
        %dma_start3A_519 = tpu.memref_squeeze %dma_start3A_518 : memref<1x4096xf32, #tpu.memory_space<hbm>> -> memref<4096xf32, #tpu.memory_space<hbm>>
        tpu.enqueue_dma source(%dma_start3A_519 : memref<4096xf32, #tpu.memory_space<hbm>>) target(%arg8 : memref<4096xf32, #tpu.memory_space<vmem>>) target_semaphore(%dma_start3A_516 : memref<!tpu.dma_semaphore, #tpu.memory_space<semaphore_mem>>)
        %dma_start3A_520 = arith.constant 0 : i32
        %dma_start3A_521 = arith.constant 0 : i32
        %dma_start3A_522 = tpu.memref_slice %arg2[%add3A_492, %dma_start3A_521] : memref<16384x4096xf32, #tpu.memory_space<hbm>> -> memref<1x4096xf32, #tpu.memory_space<hbm>>
        %dma_start3A_523 = tpu.memref_squeeze %dma_start3A_522 : memref<1x4096xf32, #tpu.memory_space<hbm>> -> memref<4096xf32, #tpu.memory_space<hbm>>
        %dma_start3A_524 = tpu.memref_slice %arg22[%dma_start3A_520] : memref<2x!tpu.dma_semaphore, #tpu.memory_space<semaphore_mem>> -> memref<1x!tpu.dma_semaphore, #tpu.memory_space<semaphore_mem>>
        %dma_start3A_525 = tpu.memref_squeeze %dma_start3A_524 : memref<1x!tpu.dma_semaphore, #tpu.memory_space<semaphore_mem>> -> memref<!tpu.dma_semaphore, #tpu.memory_space<semaphore_mem>>
        %dma_start3A_526 = arith.constant 0 : i32
        %dma_start3A_527 = tpu.memref_slice %arg2[%add3A_492, %dma_start3A_526] : memref<16384x4096xf32, #tpu.memory_space<hbm>> -> memref<1x4096xf32, #tpu.memory_space<hbm>>
        %dma_start3A_528 = tpu.memref_squeeze %dma_start3A_527 : memref<1x4096xf32, #tpu.memory_space<hbm>> -> memref<4096xf32, #tpu.memory_space<hbm>>
        tpu.enqueue_dma source(%dma_start3A_528 : memref<4096xf32, #tpu.memory_space<hbm>>) target(%arg9 : memref<4096xf32, #tpu.memory_space<vmem>>) target_semaphore(%dma_start3A_525 : memref<!tpu.dma_semaphore, #tpu.memory_space<semaphore_mem>>)
      } else {
      }
      %add3A_342 = arith.constant 1 : i32
      %add3A_343 = arith.addi %add3A_217, %add3A_342 : i32
      %mul3A_344 = arith.constant 4 : i32
      %mul3A_345 = arith.muli %add3A_343, %mul3A_344 : i32
      %add3A_346 = arith.addi %mul3A_2, %mul3A_345 : i32
      %add3A_347 = arith.constant 0 : i32
      %add3A_348 = arith.addi %add3A_346, %add3A_347 : i32
      %mul3A_349 = arith.constant 4 : i32
      %mul3A_350 = arith.muli %add3A_343, %mul3A_349 : i32
      %add3A_351 = arith.addi %mul3A_2, %mul3A_350 : i32
      %add3A_352 = arith.constant 1 : i32
      %add3A_353 = arith.addi %add3A_351, %add3A_352 : i32
      %mul3A_354 = arith.constant 4 : i32
      %mul3A_355 = arith.muli %add3A_343, %mul3A_354 : i32
      %add3A_356 = arith.addi %mul3A_2, %mul3A_355 : i32
      %add3A_357 = arith.constant 2 : i32
      %add3A_358 = arith.addi %add3A_356, %add3A_357 : i32
      %mul3A_359 = arith.constant 4 : i32
      %mul3A_360 = arith.muli %add3A_343, %mul3A_359 : i32
      %add3A_361 = arith.addi %mul3A_2, %mul3A_360 : i32
      %add3A_362 = arith.constant 3 : i32
      %add3A_363 = arith.addi %add3A_361, %add3A_362 : i32
      %dma_wait3A_364 = arith.constant 1 : i32
      %dma_wait3A_365 = arith.constant 0 : i32
      %dma_wait3A_366 = tpu.memref_slice %arg2[%add3A_348, %dma_wait3A_365] : memref<16384x4096xf32, #tpu.memory_space<hbm>> -> memref<1x4096xf32, #tpu.memory_space<hbm>>
      %dma_wait3A_367 = tpu.memref_squeeze %dma_wait3A_366 : memref<1x4096xf32, #tpu.memory_space<hbm>> -> memref<4096xf32, #tpu.memory_space<hbm>>
      %dma_wait3A_368 = tpu.memref_slice %arg22[%dma_wait3A_364] : memref<2x!tpu.dma_semaphore, #tpu.memory_space<semaphore_mem>> -> memref<1x!tpu.dma_semaphore, #tpu.memory_space<semaphore_mem>>
      %dma_wait3A_369 = tpu.memref_squeeze %dma_wait3A_368 : memref<1x!tpu.dma_semaphore, #tpu.memory_space<semaphore_mem>> -> memref<!tpu.dma_semaphore, #tpu.memory_space<semaphore_mem>>
      %dma_wait3A_370 = arith.constant 0 : i32
      %dma_wait3A_371 = tpu.memref_slice %arg2[%add3A_348, %dma_wait3A_370] : memref<16384x4096xf32, #tpu.memory_space<hbm>> -> memref<1x4096xf32, #tpu.memory_space<hbm>>
      %dma_wait3A_372 = tpu.memref_squeeze %dma_wait3A_371 : memref<1x4096xf32, #tpu.memory_space<hbm>> -> memref<4096xf32, #tpu.memory_space<hbm>>
      tpu.wait_dma2 semaphore(%dma_wait3A_369 : memref<!tpu.dma_semaphore, #tpu.memory_space<semaphore_mem>>) src(%dma_wait3A_372 : memref<4096xf32, #tpu.memory_space<hbm>>) dst(%arg10 : memref<4096xf32, #tpu.memory_space<vmem>>)
      %dma_wait3A_373 = arith.constant 1 : i32
      %dma_wait3A_374 = arith.constant 0 : i32
      %dma_wait3A_375 = tpu.memref_slice %arg2[%add3A_353, %dma_wait3A_374] : memref<16384x4096xf32, #tpu.memory_space<hbm>> -> memref<1x4096xf32, #tpu.memory_space<hbm>>
      %dma_wait3A_376 = tpu.memref_squeeze %dma_wait3A_375 : memref<1x4096xf32, #tpu.memory_space<hbm>> -> memref<4096xf32, #tpu.memory_space<hbm>>
      %dma_wait3A_377 = tpu.memref_slice %arg22[%dma_wait3A_373] : memref<2x!tpu.dma_semaphore, #tpu.memory_space<semaphore_mem>> -> memref<1x!tpu.dma_semaphore, #tpu.memory_space<semaphore_mem>>
      %dma_wait3A_378 = tpu.memref_squeeze %dma_wait3A_377 : memref<1x!tpu.dma_semaphore, #tpu.memory_space<semaphore_mem>> -> memref<!tpu.dma_semaphore, #tpu.memory_space<semaphore_mem>>
      %dma_wait3A_379 = arith.constant 0 : i32
      %dma_wait3A_380 = tpu.memref_slice %arg2[%add3A_353, %dma_wait3A_379] : memref<16384x4096xf32, #tpu.memory_space<hbm>> -> memref<1x4096xf32, #tpu.memory_space<hbm>>
      %dma_wait3A_381 = tpu.memref_squeeze %dma_wait3A_380 : memref<1x4096xf32, #tpu.memory_space<hbm>> -> memref<4096xf32, #tpu.memory_space<hbm>>
      tpu.wait_dma2 semaphore(%dma_wait3A_378 : memref<!tpu.dma_semaphore, #tpu.memory_space<semaphore_mem>>) src(%dma_wait3A_381 : memref<4096xf32, #tpu.memory_space<hbm>>) dst(%arg11 : memref<4096xf32, #tpu.memory_space<vmem>>)
      %dma_wait3A_382 = arith.constant 1 : i32
      %dma_wait3A_383 = arith.constant 0 : i32
      %dma_wait3A_384 = tpu.memref_slice %arg2[%add3A_358, %dma_wait3A_383] : memref<16384x4096xf32, #tpu.memory_space<hbm>> -> memref<1x4096xf32, #tpu.memory_space<hbm>>
      %dma_wait3A_385 = tpu.memref_squeeze %dma_wait3A_384 : memref<1x4096xf32, #tpu.memory_space<hbm>> -> memref<4096xf32, #tpu.memory_space<hbm>>
      %dma_wait3A_386 = tpu.memref_slice %arg22[%dma_wait3A_382] : memref<2x!tpu.dma_semaphore, #tpu.memory_space<semaphore_mem>> -> memref<1x!tpu.dma_semaphore, #tpu.memory_space<semaphore_mem>>
      %dma_wait3A_387 = tpu.memref_squeeze %dma_wait3A_386 : memref<1x!tpu.dma_semaphore, #tpu.memory_space<semaphore_mem>> -> memref<!tpu.dma_semaphore, #tpu.memory_space<semaphore_mem>>
      %dma_wait3A_388 = arith.constant 0 : i32
      %dma_wait3A_389 = tpu.memref_slice %arg2[%add3A_358, %dma_wait3A_388] : memref<16384x4096xf32, #tpu.memory_space<hbm>> -> memref<1x4096xf32, #tpu.memory_space<hbm>>
      %dma_wait3A_390 = tpu.memref_squeeze %dma_wait3A_389 : memref<1x4096xf32, #tpu.memory_space<hbm>> -> memref<4096xf32, #tpu.memory_space<hbm>>
      tpu.wait_dma2 semaphore(%dma_wait3A_387 : memref<!tpu.dma_semaphore, #tpu.memory_space<semaphore_mem>>) src(%dma_wait3A_390 : memref<4096xf32, #tpu.memory_space<hbm>>) dst(%arg12 : memref<4096xf32, #tpu.memory_space<vmem>>)
      %dma_wait3A_391 = arith.constant 1 : i32
      %dma_wait3A_392 = arith.constant 0 : i32
      %dma_wait3A_393 = tpu.memref_slice %arg2[%add3A_363, %dma_wait3A_392] : memref<16384x4096xf32, #tpu.memory_space<hbm>> -> memref<1x4096xf32, #tpu.memory_space<hbm>>
      %dma_wait3A_394 = tpu.memref_squeeze %dma_wait3A_393 : memref<1x4096xf32, #tpu.memory_space<hbm>> -> memref<4096xf32, #tpu.memory_space<hbm>>
      %dma_wait3A_395 = tpu.memref_slice %arg22[%dma_wait3A_391] : memref<2x!tpu.dma_semaphore, #tpu.memory_space<semaphore_mem>> -> memref<1x!tpu.dma_semaphore, #tpu.memory_space<semaphore_mem>>
      %dma_wait3A_396 = tpu.memref_squeeze %dma_wait3A_395 : memref<1x!tpu.dma_semaphore, #tpu.memory_space<semaphore_mem>> -> memref<!tpu.dma_semaphore, #tpu.memory_space<semaphore_mem>>
      %dma_wait3A_397 = arith.constant 0 : i32
      %dma_wait3A_398 = tpu.memref_slice %arg2[%add3A_363, %dma_wait3A_397] : memref<16384x4096xf32, #tpu.memory_space<hbm>> -> memref<1x4096xf32, #tpu.memory_space<hbm>>
      %dma_wait3A_399 = tpu.memref_squeeze %dma_wait3A_398 : memref<1x4096xf32, #tpu.memory_space<hbm>> -> memref<4096xf32, #tpu.memory_space<hbm>>
      tpu.wait_dma2 semaphore(%dma_wait3A_396 : memref<!tpu.dma_semaphore, #tpu.memory_space<semaphore_mem>>) src(%dma_wait3A_399 : memref<4096xf32, #tpu.memory_space<hbm>>) dst(%arg13 : memref<4096xf32, #tpu.memory_space<vmem>>)
      %ge3A_400 = arith.constant 2 : i32
      %ge3A_401 = arith.cmpi sge, %add3A_343, %ge3A_400 : i32
      %convert_element_type3A_402 = arith.extui %ge3A_401 : i1 to i32
      %cond3A_403 = arith.constant 0 : i32
      %cond3A_404 = arith.cmpi ne, %convert_element_type3A_402, %cond3A_403 : i32
      scf.if %cond3A_404 {
        %sub3A = arith.constant 2 : i32
        %sub3A_471 = arith.subi %add3A_343, %sub3A : i32
        %mul3A_472 = arith.constant 4 : i32
        %mul3A_473 = arith.muli %sub3A_471, %mul3A_472 : i32
        %add3A_474 = arith.addi %mul3A_2, %mul3A_473 : i32
        %add3A_475 = arith.constant 0 : i32
        %add3A_476 = arith.addi %add3A_474, %add3A_475 : i32
        %mul3A_477 = arith.constant 4 : i32
        %mul3A_478 = arith.muli %sub3A_471, %mul3A_477 : i32
        %add3A_479 = arith.addi %mul3A_2, %mul3A_478 : i32
        %add3A_480 = arith.constant 1 : i32
        %add3A_481 = arith.addi %add3A_479, %add3A_480 : i32
        %mul3A_482 = arith.constant 4 : i32
        %mul3A_483 = arith.muli %sub3A_471, %mul3A_482 : i32
        %add3A_484 = arith.addi %mul3A_2, %mul3A_483 : i32
        %add3A_485 = arith.constant 2 : i32
        %add3A_486 = arith.addi %add3A_484, %add3A_485 : i32
        %mul3A_487 = arith.constant 4 : i32
        %mul3A_488 = arith.muli %sub3A_471, %mul3A_487 : i32
        %add3A_489 = arith.addi %mul3A_2, %mul3A_488 : i32
        %add3A_490 = arith.constant 3 : i32
        %add3A_491 = arith.addi %add3A_489, %add3A_490 : i32
        %dma_wait3A_492 = arith.constant 1 : i32
        %dma_wait3A_493 = arith.constant 0 : i32
        %dma_wait3A_494 = tpu.memref_slice %arg4[%add3A_476, %dma_wait3A_493] : memref<16384x4096xf32, #tpu.memory_space<hbm>> -> memref<1x4096xf32, #tpu.memory_space<hbm>>
        %dma_wait3A_495 = tpu.memref_squeeze %dma_wait3A_494 : memref<1x4096xf32, #tpu.memory_space<hbm>> -> memref<4096xf32, #tpu.memory_space<hbm>>
        %dma_wait3A_496 = tpu.memref_slice %arg23[%dma_wait3A_492] : memref<2x!tpu.dma_semaphore, #tpu.memory_space<semaphore_mem>> -> memref<1x!tpu.dma_semaphore, #tpu.memory_space<semaphore_mem>>
        %dma_wait3A_497 = tpu.memref_squeeze %dma_wait3A_496 : memref<1x!tpu.dma_semaphore, #tpu.memory_space<semaphore_mem>> -> memref<!tpu.dma_semaphore, #tpu.memory_space<semaphore_mem>>
        %dma_wait3A_498 = arith.constant 0 : i32
        %dma_wait3A_499 = tpu.memref_slice %arg4[%add3A_476, %dma_wait3A_498] : memref<16384x4096xf32, #tpu.memory_space<hbm>> -> memref<1x4096xf32, #tpu.memory_space<hbm>>
        %dma_wait3A_500 = tpu.memref_squeeze %dma_wait3A_499 : memref<1x4096xf32, #tpu.memory_space<hbm>> -> memref<4096xf32, #tpu.memory_space<hbm>>
        tpu.wait_dma2 semaphore(%dma_wait3A_497 : memref<!tpu.dma_semaphore, #tpu.memory_space<semaphore_mem>>) src(%arg18 : memref<4096xf32, #tpu.memory_space<vmem>>) dst(%dma_wait3A_500 : memref<4096xf32, #tpu.memory_space<hbm>>)
        %dma_wait3A_501 = arith.constant 1 : i32
        %dma_wait3A_502 = arith.constant 0 : i32
        %dma_wait3A_503 = tpu.memref_slice %arg4[%add3A_481, %dma_wait3A_502] : memref<16384x4096xf32, #tpu.memory_space<hbm>> -> memref<1x4096xf32, #tpu.memory_space<hbm>>
        %dma_wait3A_504 = tpu.memref_squeeze %dma_wait3A_503 : memref<1x4096xf32, #tpu.memory_space<hbm>> -> memref<4096xf32, #tpu.memory_space<hbm>>
        %dma_wait3A_505 = tpu.memref_slice %arg23[%dma_wait3A_501] : memref<2x!tpu.dma_semaphore, #tpu.memory_space<semaphore_mem>> -> memref<1x!tpu.dma_semaphore, #tpu.memory_space<semaphore_mem>>
        %dma_wait3A_506 = tpu.memref_squeeze %dma_wait3A_505 : memref<1x!tpu.dma_semaphore, #tpu.memory_space<semaphore_mem>> -> memref<!tpu.dma_semaphore, #tpu.memory_space<semaphore_mem>>
        %dma_wait3A_507 = arith.constant 0 : i32
        %dma_wait3A_508 = tpu.memref_slice %arg4[%add3A_481, %dma_wait3A_507] : memref<16384x4096xf32, #tpu.memory_space<hbm>> -> memref<1x4096xf32, #tpu.memory_space<hbm>>
        %dma_wait3A_509 = tpu.memref_squeeze %dma_wait3A_508 : memref<1x4096xf32, #tpu.memory_space<hbm>> -> memref<4096xf32, #tpu.memory_space<hbm>>
        tpu.wait_dma2 semaphore(%dma_wait3A_506 : memref<!tpu.dma_semaphore, #tpu.memory_space<semaphore_mem>>) src(%arg19 : memref<4096xf32, #tpu.memory_space<vmem>>) dst(%dma_wait3A_509 : memref<4096xf32, #tpu.memory_space<hbm>>)
        %dma_wait3A_510 = arith.constant 1 : i32
        %dma_wait3A_511 = arith.constant 0 : i32
        %dma_wait3A_512 = tpu.memref_slice %arg4[%add3A_486, %dma_wait3A_511] : memref<16384x4096xf32, #tpu.memory_space<hbm>> -> memref<1x4096xf32, #tpu.memory_space<hbm>>
        %dma_wait3A_513 = tpu.memref_squeeze %dma_wait3A_512 : memref<1x4096xf32, #tpu.memory_space<hbm>> -> memref<4096xf32, #tpu.memory_space<hbm>>
        %dma_wait3A_514 = tpu.memref_slice %arg23[%dma_wait3A_510] : memref<2x!tpu.dma_semaphore, #tpu.memory_space<semaphore_mem>> -> memref<1x!tpu.dma_semaphore, #tpu.memory_space<semaphore_mem>>
        %dma_wait3A_515 = tpu.memref_squeeze %dma_wait3A_514 : memref<1x!tpu.dma_semaphore, #tpu.memory_space<semaphore_mem>> -> memref<!tpu.dma_semaphore, #tpu.memory_space<semaphore_mem>>
        %dma_wait3A_516 = arith.constant 0 : i32
        %dma_wait3A_517 = tpu.memref_slice %arg4[%add3A_486, %dma_wait3A_516] : memref<16384x4096xf32, #tpu.memory_space<hbm>> -> memref<1x4096xf32, #tpu.memory_space<hbm>>
        %dma_wait3A_518 = tpu.memref_squeeze %dma_wait3A_517 : memref<1x4096xf32, #tpu.memory_space<hbm>> -> memref<4096xf32, #tpu.memory_space<hbm>>
        tpu.wait_dma2 semaphore(%dma_wait3A_515 : memref<!tpu.dma_semaphore, #tpu.memory_space<semaphore_mem>>) src(%arg20 : memref<4096xf32, #tpu.memory_space<vmem>>) dst(%dma_wait3A_518 : memref<4096xf32, #tpu.memory_space<hbm>>)
        %dma_wait3A_519 = arith.constant 1 : i32
        %dma_wait3A_520 = arith.constant 0 : i32
        %dma_wait3A_521 = tpu.memref_slice %arg4[%add3A_491, %dma_wait3A_520] : memref<16384x4096xf32, #tpu.memory_space<hbm>> -> memref<1x4096xf32, #tpu.memory_space<hbm>>
        %dma_wait3A_522 = tpu.memref_squeeze %dma_wait3A_521 : memref<1x4096xf32, #tpu.memory_space<hbm>> -> memref<4096xf32, #tpu.memory_space<hbm>>
        %dma_wait3A_523 = tpu.memref_slice %arg23[%dma_wait3A_519] : memref<2x!tpu.dma_semaphore, #tpu.memory_space<semaphore_mem>> -> memref<1x!tpu.dma_semaphore, #tpu.memory_space<semaphore_mem>>
        %dma_wait3A_524 = tpu.memref_squeeze %dma_wait3A_523 : memref<1x!tpu.dma_semaphore, #tpu.memory_space<semaphore_mem>> -> memref<!tpu.dma_semaphore, #tpu.memory_space<semaphore_mem>>
        %dma_wait3A_525 = arith.constant 0 : i32
        %dma_wait3A_526 = tpu.memref_slice %arg4[%add3A_491, %dma_wait3A_525] : memref<16384x4096xf32, #tpu.memory_space<hbm>> -> memref<1x4096xf32, #tpu.memory_space<hbm>>
        %dma_wait3A_527 = tpu.memref_squeeze %dma_wait3A_526 : memref<1x4096xf32, #tpu.memory_space<hbm>> -> memref<4096xf32, #tpu.memory_space<hbm>>
        tpu.wait_dma2 semaphore(%dma_wait3A_524 : memref<!tpu.dma_semaphore, #tpu.memory_space<semaphore_mem>>) src(%arg21 : memref<4096xf32, #tpu.memory_space<vmem>>) dst(%dma_wait3A_527 : memref<4096xf32, #tpu.memory_space<hbm>>)
      } else {
      }
      %parallel_loop3A_405 = arith.constant 0 : i32
      %parallel_loop3A_406 = arith.constant 4096 : i32
      %parallel_loop3A_407 = arith.constant 32 : i32
      scf.for %parallel_loop3A_471 = %parallel_loop3A_405 to %parallel_loop3A_406 step %parallel_loop3A_407  : i32 {
        %parallel_loop3A_472 = arith.constant 0 : i32
        %parallel_loop3A_473 = arith.addi %parallel_loop3A_471, %parallel_loop3A_472 : i32
        %parallel_loop3A_474 = arith.index_cast %parallel_loop3A_473 : i32 to index
        %parallel_loop3A_475 = tpu.vector_load %arg5[%parallel_loop3A_474] {strides = array<i32>} : memref<4096xi32, #tpu.memory_space<vmem>>, vector<16xi32>,
        %parallel_loop3A_476 = arith.constant 16 : i32
        %parallel_loop3A_477 = arith.addi %parallel_loop3A_471, %parallel_loop3A_476 : i32
        %parallel_loop3A_478 = arith.index_cast %parallel_loop3A_477 : i32 to index
        %parallel_loop3A_479 = tpu.vector_load %arg5[%parallel_loop3A_478] {strides = array<i32>} : memref<4096xi32, #tpu.memory_space<vmem>>, vector<16xi32>,
        %parallel_loop3A_480 = tpu.vector_load_idx %arg10[%parallel_loop3A_475] : memref<4096xf32, #tpu.memory_space<vmem>>[vector<16xi32>], vector<16xf32>,
        %parallel_loop3A_481 = tpu.vector_load_idx %arg11[%parallel_loop3A_475] : memref<4096xf32, #tpu.memory_space<vmem>>[vector<16xi32>], vector<16xf32>,
        %parallel_loop3A_482 = tpu.vector_load_idx %arg12[%parallel_loop3A_475] : memref<4096xf32, #tpu.memory_space<vmem>>[vector<16xi32>], vector<16xf32>,
        %parallel_loop3A_483 = tpu.vector_load_idx %arg13[%parallel_loop3A_475] : memref<4096xf32, #tpu.memory_space<vmem>>[vector<16xi32>], vector<16xf32>,
        %parallel_loop3A_484 = tpu.vector_load_idx %arg10[%parallel_loop3A_479] : memref<4096xf32, #tpu.memory_space<vmem>>[vector<16xi32>], vector<16xf32>,
        %parallel_loop3A_485 = tpu.vector_load_idx %arg11[%parallel_loop3A_479] : memref<4096xf32, #tpu.memory_space<vmem>>[vector<16xi32>], vector<16xf32>,
        %parallel_loop3A_486 = tpu.vector_load_idx %arg12[%parallel_loop3A_479] : memref<4096xf32, #tpu.memory_space<vmem>>[vector<16xi32>], vector<16xf32>,
        %parallel_loop3A_487 = tpu.vector_load_idx %arg13[%parallel_loop3A_479] : memref<4096xf32, #tpu.memory_space<vmem>>[vector<16xi32>], vector<16xf32>,
        %parallel_loop3A_488 = arith.constant 0 : i32
        %parallel_loop3A_489 = arith.addi %parallel_loop3A_471, %parallel_loop3A_488 : i32
        %parallel_loop3A_490 = arith.index_cast %parallel_loop3A_489 : i32 to index
        %parallel_loop3A_491 = tpu.vector_load %arg18[%parallel_loop3A_490] {strides = array<i32>} : memref<4096xf32, #tpu.memory_space<vmem>>, vector<16xf32>,
        tpu.vector_store %arg18[%parallel_loop3A_490], %parallel_loop3A_480 {strides = array<i32>} : memref<4096xf32, #tpu.memory_space<vmem>>, vector<16xf32>,
        %parallel_loop3A_492 = arith.constant 0 : i32
        %parallel_loop3A_493 = arith.addi %parallel_loop3A_471, %parallel_loop3A_492 : i32
        %parallel_loop3A_494 = arith.index_cast %parallel_loop3A_493 : i32 to index
        %parallel_loop3A_495 = tpu.vector_load %arg19[%parallel_loop3A_494] {strides = array<i32>} : memref<4096xf32, #tpu.memory_space<vmem>>, vector<16xf32>,
        tpu.vector_store %arg19[%parallel_loop3A_494], %parallel_loop3A_481 {strides = array<i32>} : memref<4096xf32, #tpu.memory_space<vmem>>, vector<16xf32>,
        %parallel_loop3A_496 = arith.constant 0 : i32
        %parallel_loop3A_497 = arith.addi %parallel_loop3A_471, %parallel_loop3A_496 : i32
        %parallel_loop3A_498 = arith.index_cast %parallel_loop3A_497 : i32 to index
        %parallel_loop3A_499 = tpu.vector_load %arg20[%parallel_loop3A_498] {strides = array<i32>} : memref<4096xf32, #tpu.memory_space<vmem>>, vector<16xf32>,
        tpu.vector_store %arg20[%parallel_loop3A_498], %parallel_loop3A_482 {strides = array<i32>} : memref<4096xf32, #tpu.memory_space<vmem>>, vector<16xf32>,
        %parallel_loop3A_500 = arith.constant 0 : i32
        %parallel_loop3A_501 = arith.addi %parallel_loop3A_471, %parallel_loop3A_500 : i32
        %parallel_loop3A_502 = arith.index_cast %parallel_loop3A_501 : i32 to index
        %parallel_loop3A_503 = tpu.vector_load %arg21[%parallel_loop3A_502] {strides = array<i32>} : memref<4096xf32, #tpu.memory_space<vmem>>, vector<16xf32>,
        tpu.vector_store %arg21[%parallel_loop3A_502], %parallel_loop3A_483 {strides = array<i32>} : memref<4096xf32, #tpu.memory_space<vmem>>, vector<16xf32>,
        %parallel_loop3A_504 = arith.constant 16 : i32
        %parallel_loop3A_505 = arith.addi %parallel_loop3A_471, %parallel_loop3A_504 : i32
        %parallel_loop3A_506 = arith.index_cast %parallel_loop3A_505 : i32 to index
        %parallel_loop3A_507 = tpu.vector_load %arg18[%parallel_loop3A_506] {strides = array<i32>} : memref<4096xf32, #tpu.memory_space<vmem>>, vector<16xf32>,
        tpu.vector_store %arg18[%parallel_loop3A_506], %parallel_loop3A_484 {strides = array<i32>} : memref<4096xf32, #tpu.memory_space<vmem>>, vector<16xf32>,
        %parallel_loop3A_508 = arith.constant 16 : i32
        %parallel_loop3A_509 = arith.addi %parallel_loop3A_471, %parallel_loop3A_508 : i32
        %parallel_loop3A_510 = arith.index_cast %parallel_loop3A_509 : i32 to index
        %parallel_loop3A_511 = tpu.vector_load %arg19[%parallel_loop3A_510] {strides = array<i32>} : memref<4096xf32, #tpu.memory_space<vmem>>, vector<16xf32>,
        tpu.vector_store %arg19[%parallel_loop3A_510], %parallel_loop3A_485 {strides = array<i32>} : memref<4096xf32, #tpu.memory_space<vmem>>, vector<16xf32>,
        %parallel_loop3A_512 = arith.constant 16 : i32
        %parallel_loop3A_513 = arith.addi %parallel_loop3A_471, %parallel_loop3A_512 : i32
        %parallel_loop3A_514 = arith.index_cast %parallel_loop3A_513 : i32 to index
        %parallel_loop3A_515 = tpu.vector_load %arg20[%parallel_loop3A_514] {strides = array<i32>} : memref<4096xf32, #tpu.memory_space<vmem>>, vector<16xf32>,
        tpu.vector_store %arg20[%parallel_loop3A_514], %parallel_loop3A_486 {strides = array<i32>} : memref<4096xf32, #tpu.memory_space<vmem>>, vector<16xf32>,
        %parallel_loop3A_516 = arith.constant 16 : i32
        %parallel_loop3A_517 = arith.addi %parallel_loop3A_471, %parallel_loop3A_516 : i32
        %parallel_loop3A_518 = arith.index_cast %parallel_loop3A_517 : i32 to index
        %parallel_loop3A_519 = tpu.vector_load %arg21[%parallel_loop3A_518] {strides = array<i32>} : memref<4096xf32, #tpu.memory_space<vmem>>, vector<16xf32>,
        tpu.vector_store %arg21[%parallel_loop3A_518], %parallel_loop3A_487 {strides = array<i32>} : memref<4096xf32, #tpu.memory_space<vmem>>, vector<16xf32>,
      } {sc.loop_unroll_factor = 2 : i64, sc.parallel_access}
      %mul3A_408 = arith.constant 4 : i32
      %mul3A_409 = arith.muli %add3A_343, %mul3A_408 : i32
      %add3A_410 = arith.addi %mul3A_2, %mul3A_409 : i32
      %add3A_411 = arith.constant 0 : i32
      %add3A_412 = arith.addi %add3A_410, %add3A_411 : i32
      %mul3A_413 = arith.constant 4 : i32
      %mul3A_414 = arith.muli %add3A_343, %mul3A_413 : i32
      %add3A_415 = arith.addi %mul3A_2, %mul3A_414 : i32
      %add3A_416 = arith.constant 1 : i32
      %add3A_417 = arith.addi %add3A_415, %add3A_416 : i32
      %mul3A_418 = arith.constant 4 : i32
      %mul3A_419 = arith.muli %add3A_343, %mul3A_418 : i32
      %add3A_420 = arith.addi %mul3A_2, %mul3A_419 : i32
      %add3A_421 = arith.constant 2 : i32
      %add3A_422 = arith.addi %add3A_420, %add3A_421 : i32
      %mul3A_423 = arith.constant 4 : i32
      %mul3A_424 = arith.muli %add3A_343, %mul3A_423 : i32
      %add3A_425 = arith.addi %mul3A_2, %mul3A_424 : i32
      %add3A_426 = arith.constant 3 : i32
      %add3A_427 = arith.addi %add3A_425, %add3A_426 : i32
      %dma_start3A_428 = arith.constant 1 : i32
      %dma_start3A_429 = arith.constant 0 : i32
      %dma_start3A_430 = tpu.memref_slice %arg4[%add3A_412, %dma_start3A_429] : memref<16384x4096xf32, #tpu.memory_space<hbm>> -> memref<1x4096xf32, #tpu.memory_space<hbm>>
      %dma_start3A_431 = tpu.memref_squeeze %dma_start3A_430 : memref<1x4096xf32, #tpu.memory_space<hbm>> -> memref<4096xf32, #tpu.memory_space<hbm>>
      %dma_start3A_432 = tpu.memref_slice %arg23[%dma_start3A_428] : memref<2x!tpu.dma_semaphore, #tpu.memory_space<semaphore_mem>> -> memref<1x!tpu.dma_semaphore, #tpu.memory_space<semaphore_mem>>
      %dma_start3A_433 = tpu.memref_squeeze %dma_start3A_432 : memref<1x!tpu.dma_semaphore, #tpu.memory_space<semaphore_mem>> -> memref<!tpu.dma_semaphore, #tpu.memory_space<semaphore_mem>>
      %dma_start3A_434 = arith.constant 0 : i32
      %dma_start3A_435 = tpu.memref_slice %arg4[%add3A_412, %dma_start3A_434] : memref<16384x4096xf32, #tpu.memory_space<hbm>> -> memref<1x4096xf32, #tpu.memory_space<hbm>>
      %dma_start3A_436 = tpu.memref_squeeze %dma_start3A_435 : memref<1x4096xf32, #tpu.memory_space<hbm>> -> memref<4096xf32, #tpu.memory_space<hbm>>
      tpu.enqueue_dma source(%arg18 : memref<4096xf32, #tpu.memory_space<vmem>>) target(%dma_start3A_436 : memref<4096xf32, #tpu.memory_space<hbm>>) target_semaphore(%dma_start3A_433 : memref<!tpu.dma_semaphore, #tpu.memory_space<semaphore_mem>>)
      %dma_start3A_437 = arith.constant 1 : i32
      %dma_start3A_438 = arith.constant 0 : i32
      %dma_start3A_439 = tpu.memref_slice %arg4[%add3A_417, %dma_start3A_438] : memref<16384x4096xf32, #tpu.memory_space<hbm>> -> memref<1x4096xf32, #tpu.memory_space<hbm>>
      %dma_start3A_440 = tpu.memref_squeeze %dma_start3A_439 : memref<1x4096xf32, #tpu.memory_space<hbm>> -> memref<4096xf32, #tpu.memory_space<hbm>>
      %dma_start3A_441 = tpu.memref_slice %arg23[%dma_start3A_437] : memref<2x!tpu.dma_semaphore, #tpu.memory_space<semaphore_mem>> -> memref<1x!tpu.dma_semaphore, #tpu.memory_space<semaphore_mem>>
      %dma_start3A_442 = tpu.memref_squeeze %dma_start3A_441 : memref<1x!tpu.dma_semaphore, #tpu.memory_space<semaphore_mem>> -> memref<!tpu.dma_semaphore, #tpu.memory_space<semaphore_mem>>
      %dma_start3A_443 = arith.constant 0 : i32
      %dma_start3A_444 = tpu.memref_slice %arg4[%add3A_417, %dma_start3A_443] : memref<16384x4096xf32, #tpu.memory_space<hbm>> -> memref<1x4096xf32, #tpu.memory_space<hbm>>
      %dma_start3A_445 = tpu.memref_squeeze %dma_start3A_444 : memref<1x4096xf32, #tpu.memory_space<hbm>> -> memref<4096xf32, #tpu.memory_space<hbm>>
      tpu.enqueue_dma source(%arg19 : memref<4096xf32, #tpu.memory_space<vmem>>) target(%dma_start3A_445 : memref<4096xf32, #tpu.memory_space<hbm>>) target_semaphore(%dma_start3A_442 : memref<!tpu.dma_semaphore, #tpu.memory_space<semaphore_mem>>)
      %dma_start3A_446 = arith.constant 1 : i32
      %dma_start3A_447 = arith.constant 0 : i32
      %dma_start3A_448 = tpu.memref_slice %arg4[%add3A_422, %dma_start3A_447] : memref<16384x4096xf32, #tpu.memory_space<hbm>> -> memref<1x4096xf32, #tpu.memory_space<hbm>>
      %dma_start3A_449 = tpu.memref_squeeze %dma_start3A_448 : memref<1x4096xf32, #tpu.memory_space<hbm>> -> memref<4096xf32, #tpu.memory_space<hbm>>
      %dma_start3A_450 = tpu.memref_slice %arg23[%dma_start3A_446] : memref<2x!tpu.dma_semaphore, #tpu.memory_space<semaphore_mem>> -> memref<1x!tpu.dma_semaphore, #tpu.memory_space<semaphore_mem>>
      %dma_start3A_451 = tpu.memref_squeeze %dma_start3A_450 : memref<1x!tpu.dma_semaphore, #tpu.memory_space<semaphore_mem>> -> memref<!tpu.dma_semaphore, #tpu.memory_space<semaphore_mem>>
      %dma_start3A_452 = arith.constant 0 : i32
      %dma_start3A_453 = tpu.memref_slice %arg4[%add3A_422, %dma_start3A_452] : memref<16384x4096xf32, #tpu.memory_space<hbm>> -> memref<1x4096xf32, #tpu.memory_space<hbm>>
      %dma_start3A_454 = tpu.memref_squeeze %dma_start3A_453 : memref<1x4096xf32, #tpu.memory_space<hbm>> -> memref<4096xf32, #tpu.memory_space<hbm>>
      tpu.enqueue_dma source(%arg20 : memref<4096xf32, #tpu.memory_space<vmem>>) target(%dma_start3A_454 : memref<4096xf32, #tpu.memory_space<hbm>>) target_semaphore(%dma_start3A_451 : memref<!tpu.dma_semaphore, #tpu.memory_space<semaphore_mem>>)
      %dma_start3A_455 = arith.constant 1 : i32
      %dma_start3A_456 = arith.constant 0 : i32
      %dma_start3A_457 = tpu.memref_slice %arg4[%add3A_427, %dma_start3A_456] : memref<16384x4096xf32, #tpu.memory_space<hbm>> -> memref<1x4096xf32, #tpu.memory_space<hbm>>
      %dma_start3A_458 = tpu.memref_squeeze %dma_start3A_457 : memref<1x4096xf32, #tpu.memory_space<hbm>> -> memref<4096xf32, #tpu.memory_space<hbm>>
      %dma_start3A_459 = tpu.memref_slice %arg23[%dma_start3A_455] : memref<2x!tpu.dma_semaphore, #tpu.memory_space<semaphore_mem>> -> memref<1x!tpu.dma_semaphore, #tpu.memory_space<semaphore_mem>>
      %dma_start3A_460 = tpu.memref_squeeze %dma_start3A_459 : memref<1x!tpu.dma_semaphore, #tpu.memory_space<semaphore_mem>> -> memref<!tpu.dma_semaphore, #tpu.memory_space<semaphore_mem>>
      %dma_start3A_461 = arith.constant 0 : i32
      %dma_start3A_462 = tpu.memref_slice %arg4[%add3A_427, %dma_start3A_461] : memref<16384x4096xf32, #tpu.memory_space<hbm>> -> memref<1x4096xf32, #tpu.memory_space<hbm>>
      %dma_start3A_463 = tpu.memref_squeeze %dma_start3A_462 : memref<1x4096xf32, #tpu.memory_space<hbm>> -> memref<4096xf32, #tpu.memory_space<hbm>>
      tpu.enqueue_dma source(%arg21 : memref<4096xf32, #tpu.memory_space<vmem>>) target(%dma_start3A_463 : memref<4096xf32, #tpu.memory_space<hbm>>) target_semaphore(%dma_start3A_460 : memref<!tpu.dma_semaphore, #tpu.memory_space<semaphore_mem>>)
      %add3A_464 = arith.constant 2 : i32
      %add3A_465 = arith.addi %add3A_343, %add3A_464 : i32
      %lt3A_466 = arith.constant 128 : i32
      %lt3A_467 = arith.cmpi slt, %add3A_465, %lt3A_466 : i32
      %convert_element_type3A_468 = arith.extui %lt3A_467 : i1 to i32
      %cond3A_469 = arith.constant 0 : i32
      %cond3A_470 = arith.cmpi ne, %convert_element_type3A_468, %cond3A_469 : i32
      scf.if %cond3A_470 {
        %add3A_471 = arith.constant 2 : i32
        %add3A_472 = arith.addi %add3A_343, %add3A_471 : i32
        %mul3A_473 = arith.constant 4 : i32
        %mul3A_474 = arith.muli %add3A_472, %mul3A_473 : i32
        %add3A_475 = arith.addi %mul3A_2, %mul3A_474 : i32
        %add3A_476 = arith.constant 0 : i32
        %add3A_477 = arith.addi %add3A_475, %add3A_476 : i32
        %mul3A_478 = arith.constant 4 : i32
        %mul3A_479 = arith.muli %add3A_472, %mul3A_478 : i32
        %add3A_480 = arith.addi %mul3A_2, %mul3A_479 : i32
        %add3A_481 = arith.constant 1 : i32
        %add3A_482 = arith.addi %add3A_480, %add3A_481 : i32
        %mul3A_483 = arith.constant 4 : i32
        %mul3A_484 = arith.muli %add3A_472, %mul3A_483 : i32
        %add3A_485 = arith.addi %mul3A_2, %mul3A_484 : i32
        %add3A_486 = arith.constant 2 : i32
        %add3A_487 = arith.addi %add3A_485, %add3A_486 : i32
        %mul3A_488 = arith.constant 4 : i32
        %mul3A_489 = arith.muli %add3A_472, %mul3A_488 : i32
        %add3A_490 = arith.addi %mul3A_2, %mul3A_489 : i32
        %add3A_491 = arith.constant 3 : i32
        %add3A_492 = arith.addi %add3A_490, %add3A_491 : i32
        %dma_start3A_493 = arith.constant 1 : i32
        %dma_start3A_494 = arith.constant 0 : i32
        %dma_start3A_495 = tpu.memref_slice %arg2[%add3A_477, %dma_start3A_494] : memref<16384x4096xf32, #tpu.memory_space<hbm>> -> memref<1x4096xf32, #tpu.memory_space<hbm>>
        %dma_start3A_496 = tpu.memref_squeeze %dma_start3A_495 : memref<1x4096xf32, #tpu.memory_space<hbm>> -> memref<4096xf32, #tpu.memory_space<hbm>>
        %dma_start3A_497 = tpu.memref_slice %arg22[%dma_start3A_493] : memref<2x!tpu.dma_semaphore, #tpu.memory_space<semaphore_mem>> -> memref<1x!tpu.dma_semaphore, #tpu.memory_space<semaphore_mem>>
        %dma_start3A_498 = tpu.memref_squeeze %dma_start3A_497 : memref<1x!tpu.dma_semaphore, #tpu.memory_space<semaphore_mem>> -> memref<!tpu.dma_semaphore, #tpu.memory_space<semaphore_mem>>
        %dma_start3A_499 = arith.constant 0 : i32
        %dma_start3A_500 = tpu.memref_slice %arg2[%add3A_477, %dma_start3A_499] : memref<16384x4096xf32, #tpu.memory_space<hbm>> -> memref<1x4096xf32, #tpu.memory_space<hbm>>
        %dma_start3A_501 = tpu.memref_squeeze %dma_start3A_500 : memref<1x4096xf32, #tpu.memory_space<hbm>> -> memref<4096xf32, #tpu.memory_space<hbm>>
        tpu.enqueue_dma source(%dma_start3A_501 : memref<4096xf32, #tpu.memory_space<hbm>>) target(%arg10 : memref<4096xf32, #tpu.memory_space<vmem>>) target_semaphore(%dma_start3A_498 : memref<!tpu.dma_semaphore, #tpu.memory_space<semaphore_mem>>)
        %dma_start3A_502 = arith.constant 1 : i32
        %dma_start3A_503 = arith.constant 0 : i32
        %dma_start3A_504 = tpu.memref_slice %arg2[%add3A_482, %dma_start3A_503] : memref<16384x4096xf32, #tpu.memory_space<hbm>> -> memref<1x4096xf32, #tpu.memory_space<hbm>>
        %dma_start3A_505 = tpu.memref_squeeze %dma_start3A_504 : memref<1x4096xf32, #tpu.memory_space<hbm>> -> memref<4096xf32, #tpu.memory_space<hbm>>
        %dma_start3A_506 = tpu.memref_slice %arg22[%dma_start3A_502] : memref<2x!tpu.dma_semaphore, #tpu.memory_space<semaphore_mem>> -> memref<1x!tpu.dma_semaphore, #tpu.memory_space<semaphore_mem>>
        %dma_start3A_507 = tpu.memref_squeeze %dma_start3A_506 : memref<1x!tpu.dma_semaphore, #tpu.memory_space<semaphore_mem>> -> memref<!tpu.dma_semaphore, #tpu.memory_space<semaphore_mem>>
        %dma_start3A_508 = arith.constant 0 : i32
        %dma_start3A_509 = tpu.memref_slice %arg2[%add3A_482, %dma_start3A_508] : memref<16384x4096xf32, #tpu.memory_space<hbm>> -> memref<1x4096xf32, #tpu.memory_space<hbm>>
        %dma_start3A_510 = tpu.memref_squeeze %dma_start3A_509 : memref<1x4096xf32, #tpu.memory_space<hbm>> -> memref<4096xf32, #tpu.memory_space<hbm>>
        tpu.enqueue_dma source(%dma_start3A_510 : memref<4096xf32, #tpu.memory_space<hbm>>) target(%arg11 : memref<4096xf32, #tpu.memory_space<vmem>>) target_semaphore(%dma_start3A_507 : memref<!tpu.dma_semaphore, #tpu.memory_space<semaphore_mem>>)
        %dma_start3A_511 = arith.constant 1 : i32
        %dma_start3A_512 = arith.constant 0 : i32
        %dma_start3A_513 = tpu.memref_slice %arg2[%add3A_487, %dma_start3A_512] : memref<16384x4096xf32, #tpu.memory_space<hbm>> -> memref<1x4096xf32, #tpu.memory_space<hbm>>
        %dma_start3A_514 = tpu.memref_squeeze %dma_start3A_513 : memref<1x4096xf32, #tpu.memory_space<hbm>> -> memref<4096xf32, #tpu.memory_space<hbm>>
        %dma_start3A_515 = tpu.memref_slice %arg22[%dma_start3A_511] : memref<2x!tpu.dma_semaphore, #tpu.memory_space<semaphore_mem>> -> memref<1x!tpu.dma_semaphore, #tpu.memory_space<semaphore_mem>>
        %dma_start3A_516 = tpu.memref_squeeze %dma_start3A_515 : memref<1x!tpu.dma_semaphore, #tpu.memory_space<semaphore_mem>> -> memref<!tpu.dma_semaphore, #tpu.memory_space<semaphore_mem>>
        %dma_start3A_517 = arith.constant 0 : i32
        %dma_start3A_518 = tpu.memref_slice %arg2[%add3A_487, %dma_start3A_517] : memref<16384x4096xf32, #tpu.memory_space<hbm>> -> memref<1x4096xf32, #tpu.memory_space<hbm>>
        %dma_start3A_519 = tpu.memref_squeeze %dma_start3A_518 : memref<1x4096xf32, #tpu.memory_space<hbm>> -> memref<4096xf32, #tpu.memory_space<hbm>>
        tpu.enqueue_dma source(%dma_start3A_519 : memref<4096xf32, #tpu.memory_space<hbm>>) target(%arg12 : memref<4096xf32, #tpu.memory_space<vmem>>) target_semaphore(%dma_start3A_516 : memref<!tpu.dma_semaphore, #tpu.memory_space<semaphore_mem>>)
        %dma_start3A_520 = arith.constant 1 : i32
        %dma_start3A_521 = arith.constant 0 : i32
        %dma_start3A_522 = tpu.memref_slice %arg2[%add3A_492, %dma_start3A_521] : memref<16384x4096xf32, #tpu.memory_space<hbm>> -> memref<1x4096xf32, #tpu.memory_space<hbm>>
        %dma_start3A_523 = tpu.memref_squeeze %dma_start3A_522 : memref<1x4096xf32, #tpu.memory_space<hbm>> -> memref<4096xf32, #tpu.memory_space<hbm>>
        %dma_start3A_524 = tpu.memref_slice %arg22[%dma_start3A_520] : memref<2x!tpu.dma_semaphore, #tpu.memory_space<semaphore_mem>> -> memref<1x!tpu.dma_semaphore, #tpu.memory_space<semaphore_mem>>
        %dma_start3A_525 = tpu.memref_squeeze %dma_start3A_524 : memref<1x!tpu.dma_semaphore, #tpu.memory_space<semaphore_mem>> -> memref<!tpu.dma_semaphore, #tpu.memory_space<semaphore_mem>>
        %dma_start3A_526 = arith.constant 0 : i32
        %dma_start3A_527 = tpu.memref_slice %arg2[%add3A_492, %dma_start3A_526] : memref<16384x4096xf32, #tpu.memory_space<hbm>> -> memref<1x4096xf32, #tpu.memory_space<hbm>>
        %dma_start3A_528 = tpu.memref_squeeze %dma_start3A_527 : memref<1x4096xf32, #tpu.memory_space<hbm>> -> memref<4096xf32, #tpu.memory_space<hbm>>
        tpu.enqueue_dma source(%dma_start3A_528 : memref<4096xf32, #tpu.memory_space<hbm>>) target(%arg13 : memref<4096xf32, #tpu.memory_space<vmem>>) target_semaphore(%dma_start3A_525 : memref<!tpu.dma_semaphore, #tpu.memory_space<semaphore_mem>>)
      } else {
      }
    }
    %scan3A_109 = arith.constant 64 : i32
    %add3A_110 = arith.constant 504 : i32
    %add3A_111 = arith.addi %mul3A_2, %add3A_110 : i32
    %add3A_112 = arith.constant 0 : i32
    %add3A_113 = arith.addi %add3A_111, %add3A_112 : i32
    %add3A_114 = arith.constant 504 : i32
    %add3A_115 = arith.addi %mul3A_2, %add3A_114 : i32
    %add3A_116 = arith.constant 1 : i32
    %add3A_117 = arith.addi %add3A_115, %add3A_116 : i32
    %add3A_118 = arith.constant 504 : i32
    %add3A_119 = arith.addi %mul3A_2, %add3A_118 : i32
    %add3A_120 = arith.constant 2 : i32
    %add3A_121 = arith.addi %add3A_119, %add3A_120 : i32
    %add3A_122 = arith.constant 504 : i32
    %add3A_123 = arith.addi %mul3A_2, %add3A_122 : i32
    %add3A_124 = arith.constant 3 : i32
    %add3A_125 = arith.addi %add3A_123, %add3A_124 : i32
    %dma_wait3A = arith.constant 0 : i32
    %dma_wait3A_126 = arith.constant 0 : i32
    %dma_wait3A_127 = tpu.memref_slice %arg4[%add3A_113, %dma_wait3A_126] : memref<16384x4096xf32, #tpu.memory_space<hbm>> -> memref<1x4096xf32, #tpu.memory_space<hbm>>
    %dma_wait3A_128 = tpu.memref_squeeze %dma_wait3A_127 : memref<1x4096xf32, #tpu.memory_space<hbm>> -> memref<4096xf32, #tpu.memory_space<hbm>>
    %dma_wait3A_129 = tpu.memref_slice %arg23[%dma_wait3A] : memref<2x!tpu.dma_semaphore, #tpu.memory_space<semaphore_mem>> -> memref<1x!tpu.dma_semaphore, #tpu.memory_space<semaphore_mem>>
    %dma_wait3A_130 = tpu.memref_squeeze %dma_wait3A_129 : memref<1x!tpu.dma_semaphore, #tpu.memory_space<semaphore_mem>> -> memref<!tpu.dma_semaphore, #tpu.memory_space<semaphore_mem>>
    %dma_wait3A_131 = arith.constant 0 : i32
    %dma_wait3A_132 = tpu.memref_slice %arg4[%add3A_113, %dma_wait3A_131] : memref<16384x4096xf32, #tpu.memory_space<hbm>> -> memref<1x4096xf32, #tpu.memory_space<hbm>>
    %dma_wait3A_133 = tpu.memref_squeeze %dma_wait3A_132 : memref<1x4096xf32, #tpu.memory_space<hbm>> -> memref<4096xf32, #tpu.memory_space<hbm>>
    tpu.wait_dma2 semaphore(%dma_wait3A_130 : memref<!tpu.dma_semaphore, #tpu.memory_space<semaphore_mem>>) src(%arg14 : memref<4096xf32, #tpu.memory_space<vmem>>) dst(%dma_wait3A_133 : memref<4096xf32, #tpu.memory_space<hbm>>)
    %dma_wait3A_134 = arith.constant 0 : i32
    %dma_wait3A_135 = arith.constant 0 : i32
    %dma_wait3A_136 = tpu.memref_slice %arg4[%add3A_117, %dma_wait3A_135] : memref<16384x4096xf32, #tpu.memory_space<hbm>> -> memref<1x4096xf32, #tpu.memory_space<hbm>>
    %dma_wait3A_137 = tpu.memref_squeeze %dma_wait3A_136 : memref<1x4096xf32, #tpu.memory_space<hbm>> -> memref<4096xf32, #tpu.memory_space<hbm>>
    %dma_wait3A_138 = tpu.memref_slice %arg23[%dma_wait3A_134] : memref<2x!tpu.dma_semaphore, #tpu.memory_space<semaphore_mem>> -> memref<1x!tpu.dma_semaphore, #tpu.memory_space<semaphore_mem>>
    %dma_wait3A_139 = tpu.memref_squeeze %dma_wait3A_138 : memref<1x!tpu.dma_semaphore, #tpu.memory_space<semaphore_mem>> -> memref<!tpu.dma_semaphore, #tpu.memory_space<semaphore_mem>>
    %dma_wait3A_140 = arith.constant 0 : i32
    %dma_wait3A_141 = tpu.memref_slice %arg4[%add3A_117, %dma_wait3A_140] : memref<16384x4096xf32, #tpu.memory_space<hbm>> -> memref<1x4096xf32, #tpu.memory_space<hbm>>
    %dma_wait3A_142 = tpu.memref_squeeze %dma_wait3A_141 : memref<1x4096xf32, #tpu.memory_space<hbm>> -> memref<4096xf32, #tpu.memory_space<hbm>>
    tpu.wait_dma2 semaphore(%dma_wait3A_139 : memref<!tpu.dma_semaphore, #tpu.memory_space<semaphore_mem>>) src(%arg15 : memref<4096xf32, #tpu.memory_space<vmem>>) dst(%dma_wait3A_142 : memref<4096xf32, #tpu.memory_space<hbm>>)
    %dma_wait3A_143 = arith.constant 0 : i32
    %dma_wait3A_144 = arith.constant 0 : i32
    %dma_wait3A_145 = tpu.memref_slice %arg4[%add3A_121, %dma_wait3A_144] : memref<16384x4096xf32, #tpu.memory_space<hbm>> -> memref<1x4096xf32, #tpu.memory_space<hbm>>
    %dma_wait3A_146 = tpu.memref_squeeze %dma_wait3A_145 : memref<1x4096xf32, #tpu.memory_space<hbm>> -> memref<4096xf32, #tpu.memory_space<hbm>>
    %dma_wait3A_147 = tpu.memref_slice %arg23[%dma_wait3A_143] : memref<2x!tpu.dma_semaphore, #tpu.memory_space<semaphore_mem>> -> memref<1x!tpu.dma_semaphore, #tpu.memory_space<semaphore_mem>>
    %dma_wait3A_148 = tpu.memref_squeeze %dma_wait3A_147 : memref<1x!tpu.dma_semaphore, #tpu.memory_space<semaphore_mem>> -> memref<!tpu.dma_semaphore, #tpu.memory_space<semaphore_mem>>
    %dma_wait3A_149 = arith.constant 0 : i32
    %dma_wait3A_150 = tpu.memref_slice %arg4[%add3A_121, %dma_wait3A_149] : memref<16384x4096xf32, #tpu.memory_space<hbm>> -> memref<1x4096xf32, #tpu.memory_space<hbm>>
    %dma_wait3A_151 = tpu.memref_squeeze %dma_wait3A_150 : memref<1x4096xf32, #tpu.memory_space<hbm>> -> memref<4096xf32, #tpu.memory_space<hbm>>
    tpu.wait_dma2 semaphore(%dma_wait3A_148 : memref<!tpu.dma_semaphore, #tpu.memory_space<semaphore_mem>>) src(%arg16 : memref<4096xf32, #tpu.memory_space<vmem>>) dst(%dma_wait3A_151 : memref<4096xf32, #tpu.memory_space<hbm>>)
    %dma_wait3A_152 = arith.constant 0 : i32
    %dma_wait3A_153 = arith.constant 0 : i32
    %dma_wait3A_154 = tpu.memref_slice %arg4[%add3A_125, %dma_wait3A_153] : memref<16384x4096xf32, #tpu.memory_space<hbm>> -> memref<1x4096xf32, #tpu.memory_space<hbm>>
    %dma_wait3A_155 = tpu.memref_squeeze %dma_wait3A_154 : memref<1x4096xf32, #tpu.memory_space<hbm>> -> memref<4096xf32, #tpu.memory_space<hbm>>
    %dma_wait3A_156 = tpu.memref_slice %arg23[%dma_wait3A_152] : memref<2x!tpu.dma_semaphore, #tpu.memory_space<semaphore_mem>> -> memref<1x!tpu.dma_semaphore, #tpu.memory_space<semaphore_mem>>
    %dma_wait3A_157 = tpu.memref_squeeze %dma_wait3A_156 : memref<1x!tpu.dma_semaphore, #tpu.memory_space<semaphore_mem>> -> memref<!tpu.dma_semaphore, #tpu.memory_space<semaphore_mem>>
    %dma_wait3A_158 = arith.constant 0 : i32
    %dma_wait3A_159 = tpu.memref_slice %arg4[%add3A_125, %dma_wait3A_158] : memref<16384x4096xf32, #tpu.memory_space<hbm>> -> memref<1x4096xf32, #tpu.memory_space<hbm>>
    %dma_wait3A_160 = tpu.memref_squeeze %dma_wait3A_159 : memref<1x4096xf32, #tpu.memory_space<hbm>> -> memref<4096xf32, #tpu.memory_space<hbm>>
    tpu.wait_dma2 semaphore(%dma_wait3A_157 : memref<!tpu.dma_semaphore, #tpu.memory_space<semaphore_mem>>) src(%arg17 : memref<4096xf32, #tpu.memory_space<vmem>>) dst(%dma_wait3A_160 : memref<4096xf32, #tpu.memory_space<hbm>>)
    %add3A_161 = arith.constant 508 : i32
    %add3A_162 = arith.addi %mul3A_2, %add3A_161 : i32
    %add3A_163 = arith.constant 0 : i32
    %add3A_164 = arith.addi %add3A_162, %add3A_163 : i32
    %add3A_165 = arith.constant 508 : i32
    %add3A_166 = arith.addi %mul3A_2, %add3A_165 : i32
    %add3A_167 = arith.constant 1 : i32
    %add3A_168 = arith.addi %add3A_166, %add3A_167 : i32
    %add3A_169 = arith.constant 508 : i32
    %add3A_170 = arith.addi %mul3A_2, %add3A_169 : i32
    %add3A_171 = arith.constant 2 : i32
    %add3A_172 = arith.addi %add3A_170, %add3A_171 : i32
    %add3A_173 = arith.constant 508 : i32
    %add3A_174 = arith.addi %mul3A_2, %add3A_173 : i32
    %add3A_175 = arith.constant 3 : i32
    %add3A_176 = arith.addi %add3A_174, %add3A_175 : i32
    %dma_wait3A_177 = arith.constant 1 : i32
    %dma_wait3A_178 = arith.constant 0 : i32
    %dma_wait3A_179 = tpu.memref_slice %arg4[%add3A_164, %dma_wait3A_178] : memref<16384x4096xf32, #tpu.memory_space<hbm>> -> memref<1x4096xf32, #tpu.memory_space<hbm>>
    %dma_wait3A_180 = tpu.memref_squeeze %dma_wait3A_179 : memref<1x4096xf32, #tpu.memory_space<hbm>> -> memref<4096xf32, #tpu.memory_space<hbm>>
    %dma_wait3A_181 = tpu.memref_slice %arg23[%dma_wait3A_177] : memref<2x!tpu.dma_semaphore, #tpu.memory_space<semaphore_mem>> -> memref<1x!tpu.dma_semaphore, #tpu.memory_space<semaphore_mem>>
    %dma_wait3A_182 = tpu.memref_squeeze %dma_wait3A_181 : memref<1x!tpu.dma_semaphore, #tpu.memory_space<semaphore_mem>> -> memref<!tpu.dma_semaphore, #tpu.memory_space<semaphore_mem>>
    %dma_wait3A_183 = arith.constant 0 : i32
    %dma_wait3A_184 = tpu.memref_slice %arg4[%add3A_164, %dma_wait3A_183] : memref<16384x4096xf32, #tpu.memory_space<hbm>> -> memref<1x4096xf32, #tpu.memory_space<hbm>>
    %dma_wait3A_185 = tpu.memref_squeeze %dma_wait3A_184 : memref<1x4096xf32, #tpu.memory_space<hbm>> -> memref<4096xf32, #tpu.memory_space<hbm>>
    tpu.wait_dma2 semaphore(%dma_wait3A_182 : memref<!tpu.dma_semaphore, #tpu.memory_space<semaphore_mem>>) src(%arg18 : memref<4096xf32, #tpu.memory_space<vmem>>) dst(%dma_wait3A_185 : memref<4096xf32, #tpu.memory_space<hbm>>)
    %dma_wait3A_186 = arith.constant 1 : i32
    %dma_wait3A_187 = arith.constant 0 : i32
    %dma_wait3A_188 = tpu.memref_slice %arg4[%add3A_168, %dma_wait3A_187] : memref<16384x4096xf32, #tpu.memory_space<hbm>> -> memref<1x4096xf32, #tpu.memory_space<hbm>>
    %dma_wait3A_189 = tpu.memref_squeeze %dma_wait3A_188 : memref<1x4096xf32, #tpu.memory_space<hbm>> -> memref<4096xf32, #tpu.memory_space<hbm>>
    %dma_wait3A_190 = tpu.memref_slice %arg23[%dma_wait3A_186] : memref<2x!tpu.dma_semaphore, #tpu.memory_space<semaphore_mem>> -> memref<1x!tpu.dma_semaphore, #tpu.memory_space<semaphore_mem>>
    %dma_wait3A_191 = tpu.memref_squeeze %dma_wait3A_190 : memref<1x!tpu.dma_semaphore, #tpu.memory_space<semaphore_mem>> -> memref<!tpu.dma_semaphore, #tpu.memory_space<semaphore_mem>>
    %dma_wait3A_192 = arith.constant 0 : i32
    %dma_wait3A_193 = tpu.memref_slice %arg4[%add3A_168, %dma_wait3A_192] : memref<16384x4096xf32, #tpu.memory_space<hbm>> -> memref<1x4096xf32, #tpu.memory_space<hbm>>
    %dma_wait3A_194 = tpu.memref_squeeze %dma_wait3A_193 : memref<1x4096xf32, #tpu.memory_space<hbm>> -> memref<4096xf32, #tpu.memory_space<hbm>>
    tpu.wait_dma2 semaphore(%dma_wait3A_191 : memref<!tpu.dma_semaphore, #tpu.memory_space<semaphore_mem>>) src(%arg19 : memref<4096xf32, #tpu.memory_space<vmem>>) dst(%dma_wait3A_194 : memref<4096xf32, #tpu.memory_space<hbm>>)
    %dma_wait3A_195 = arith.constant 1 : i32
    %dma_wait3A_196 = arith.constant 0 : i32
    %dma_wait3A_197 = tpu.memref_slice %arg4[%add3A_172, %dma_wait3A_196] : memref<16384x4096xf32, #tpu.memory_space<hbm>> -> memref<1x4096xf32, #tpu.memory_space<hbm>>
    %dma_wait3A_198 = tpu.memref_squeeze %dma_wait3A_197 : memref<1x4096xf32, #tpu.memory_space<hbm>> -> memref<4096xf32, #tpu.memory_space<hbm>>
    %dma_wait3A_199 = tpu.memref_slice %arg23[%dma_wait3A_195] : memref<2x!tpu.dma_semaphore, #tpu.memory_space<semaphore_mem>> -> memref<1x!tpu.dma_semaphore, #tpu.memory_space<semaphore_mem>>
    %dma_wait3A_200 = tpu.memref_squeeze %dma_wait3A_199 : memref<1x!tpu.dma_semaphore, #tpu.memory_space<semaphore_mem>> -> memref<!tpu.dma_semaphore, #tpu.memory_space<semaphore_mem>>
    %dma_wait3A_201 = arith.constant 0 : i32
    %dma_wait3A_202 = tpu.memref_slice %arg4[%add3A_172, %dma_wait3A_201] : memref<16384x4096xf32, #tpu.memory_space<hbm>> -> memref<1x4096xf32, #tpu.memory_space<hbm>>
    %dma_wait3A_203 = tpu.memref_squeeze %dma_wait3A_202 : memref<1x4096xf32, #tpu.memory_space<hbm>> -> memref<4096xf32, #tpu.memory_space<hbm>>
    tpu.wait_dma2 semaphore(%dma_wait3A_200 : memref<!tpu.dma_semaphore, #tpu.memory_space<semaphore_mem>>) src(%arg20 : memref<4096xf32, #tpu.memory_space<vmem>>) dst(%dma_wait3A_203 : memref<4096xf32, #tpu.memory_space<hbm>>)
    %dma_wait3A_204 = arith.constant 1 : i32
    %dma_wait3A_205 = arith.constant 0 : i32
    %dma_wait3A_206 = tpu.memref_slice %arg4[%add3A_176, %dma_wait3A_205] : memref<16384x4096xf32, #tpu.memory_space<hbm>> -> memref<1x4096xf32, #tpu.memory_space<hbm>>
    %dma_wait3A_207 = tpu.memref_squeeze %dma_wait3A_206 : memref<1x4096xf32, #tpu.memory_space<hbm>> -> memref<4096xf32, #tpu.memory_space<hbm>>
    %dma_wait3A_208 = tpu.memref_slice %arg23[%dma_wait3A_204] : memref<2x!tpu.dma_semaphore, #tpu.memory_space<semaphore_mem>> -> memref<1x!tpu.dma_semaphore, #tpu.memory_space<semaphore_mem>>
    %dma_wait3A_209 = tpu.memref_squeeze %dma_wait3A_208 : memref<1x!tpu.dma_semaphore, #tpu.memory_space<semaphore_mem>> -> memref<!tpu.dma_semaphore, #tpu.memory_space<semaphore_mem>>
    %dma_wait3A_210 = arith.constant 0 : i32
    %dma_wait3A_211 = tpu.memref_slice %arg4[%add3A_176, %dma_wait3A_210] : memref<16384x4096xf32, #tpu.memory_space<hbm>> -> memref<1x4096xf32, #tpu.memory_space<hbm>>
    %dma_wait3A_212 = tpu.memref_squeeze %dma_wait3A_211 : memref<1x4096xf32, #tpu.memory_space<hbm>> -> memref<4096xf32, #tpu.memory_space<hbm>>
    tpu.wait_dma2 semaphore(%dma_wait3A_209 : memref<!tpu.dma_semaphore, #tpu.memory_space<semaphore_mem>>) src(%arg21 : memref<4096xf32, #tpu.memory_space<vmem>>) dst(%dma_wait3A_212 : memref<4096xf32, #tpu.memory_space<hbm>>)
    return
  }
}

</mosaic_0001>

<sc_bundles>
// kernel: _shuffle.3.cloned.1.call-start
scs
__scs_entry_jumppad:
0x0: {  	(pc) =	sbr.rel $0x88, $3  }
0x1: {  	(tag) =	ssettag $0x0;
	lr =	simm.s32 $0x1  }
0x2: {  	[smem:$0x3F9F] =	sst lr;
	_ =	strace $0xD0000000  }
0x3: {  	_ = 	snop  }
0x4: {  	_ = 	snop  }
0x5: {  	_ = 	snop  }
0x6: {  	_ = 	snop  }
0x7: {  	_ = 	snop  }
__scs_overlays_trampoline_lowered:
0x8: {  	[smem:$0x3FAE] =	sst s0  }
0x9: {  	[smem:$0x3FAF] =	sst s1  }
0xa: {  	[smem:$0x3FB0] =	sst s2  }
0xb: {  	[smem:$0x3FB1] =	sst s3  }
0xc: {  	[smem:$0x3FB2] =	sst s4  }
0xd: {  	[smem:$0x3FB3] =	sst s5  }
0xe: {  	[smem:$0x3FB4] =	sst s6  }
0xf: {  	[smem:$0x3FB5] =	sst s7  }
0x10: {  	[smem:$0x3FB6] =	sst s8  }
0x11: {  	[smem:$0x3FB7] =	sst s9;
	s0 =	simm.s32 @!p0 $0x0  }
0x12: {  	s1 =	sld [smem:$0x3F9D];
	s0 =	simm.s32 @p0 $0x1  }
0x13: {  	[smem:$0x3FB8] =	sst s0;
	s0 =	simm.s32 @!p1 $0x0  }
0x14: {  	s2 =	sld [smem:$0x3F9C];
	s0 =	simm.s32 @p1 $0x1  }
0x15: {  	[smem:$0x3FB9] =	sst s0;
	s0 =	simm.s32 @!p2 $0x0  }
0x16: {  	s3 =	sld [smem:$0x3FDB];
	s0 =	simm.s32 @p2 $0x1  }
0x17: {  	s4 =	simm.s32 $0x1BF5;
	[smem:$0x3FBB] =	sst s0  }
0x18: {  	s0 =	sld [smem:$0x3F9E];
	_ =	swait.ge [sflag:s4], $0x0  }
0x19: {  	s7 =	sld [smem:$0x3F9F]  }
0x1a: {  	s8 =	sadd.s32 $0xFFFFE003, lr  }
0x1b: {  	s9 =	sadd.s32 $0xFFFFFEF7, lr;
	s5 =	simm.s32 $0xFFFFFFFF;
	p2 =	slt.u32 s8, $0xFFFFF086  }
0x1c: {  	p1 =	slt.u32 s9, $0xF7A;
	s5 =	simm.s32 @!p2 $0x0  }
0x1d: {  	s5 =	simm.s32 @p1 $0x1;
	p0 =	seq.s32 s7, s2  }
0x1e: {  	s7 =	smul.u32 @!p0 $0xF7A, s2;
	p2 =	seq.s32 @!p0 s5, $0x0  }
0x1f: {  	s9 =	smul.u32 $0xF7A, s1;
	s8 =	simm.s32 @!p0 $0x1BF5;
	p2 =	por !p2, p0  }
0x20: {  	[sflag:s8] =	ssyncset.s32 @!p0 $0xFFFFF086;
	s6 =	sadd.s32 @!p0 s3, s7;
	s7 =	simm.s32 @!p0 $0x108  }
0x21: {  	s3 =	sadd.s32 s3, s9;
	s6 =	sadd.s32 @!p0 $0x88, s6;
	s7 =	simm.s32 @p2 $0x1082  }
0x22: {  	[simem:s7], [sflag:s8] =	dma.local @!p0 [hbm:s6], $0xF7A  }
0x23: {  	s9 =	sor.u32 $0xD0000000, s2;
	s6 =	simm.s32 $0x108;
	_ =	swait.ge @!p0 [sflag:s8], $0x0  }
0x24: {  	s3 =	sadd.s32 $0x88, s3;
	s6 =	simm.s32 @!p1 $0x1082;
	[sflag:s4] =	ssyncset.s32 $0xFFFFF086  }
0x25: {  	[simem:s6], [sflag:s4] =	dma.local [hbm:s3], $0xF7A  }
0x26: {  	[smem:$0x3F9F] =	sst s1;
	(tag) =	ssettag s2;
	_ =	strace s9  }
0x27: {  	s1 =	sld [smem:$0x3FAF]  }
0x28: {  	s2 =	sld [smem:$0x3FB0]  }
0x29: {  	s4 =	sld [smem:$0x3FB2]  }
0x2a: {  	p0 =	seq.s32 s5, $0x0;
	s5 =	sld [smem:$0x3FB3]  }
0x2b: {  	s6 =	sld [smem:$0x3FB4]  }
0x2c: {  	s7 =	sld [smem:$0x3FB5]  }
0x2d: {  	s3 =	simm.s32 $0x108;
	s8 =	sld [smem:$0x3FB6]  }
0x2e: {  	s3 =	simm.s32 @!p0 $0x1082;
	s9 =	sld [smem:$0x3FB7]  }
0x2f: {  	lr =	sadd.s32 s0, s3;
	s0 =	sld [smem:$0x3FAE]  }
0x30: {  	s3 =	sld [smem:$0x3FB1]  }
0x31: {  	[smem:$0x3FBA] =	sst s10  }
0x32: {  	s10 =	sld [smem:$0x3FB8];
	_ =	sdelay $0x3  }
0x33: {  	p0 =	seq.s32 s10, $0x1;
	s10 =	sld [smem:$0x3FBA];
	_ =	sdelay $0x3  }
0x34: {  	[smem:$0x3FBA] =	sst s10  }
0x35: {  	s10 =	sld [smem:$0x3FB9];
	_ =	sdelay $0x3  }
0x36: {  	p1 =	seq.s32 s10, $0x1;
	s10 =	sld [smem:$0x3FBA];
	_ =	sdelay $0x3  }
0x37: {  	[smem:$0x3FBA] =	sst s10  }
0x38: {  	s10 =	sld [smem:$0x3FBB]  }
0x39: {  	_ = 	snop;
	(pc) =	sbr.ind lr, $3  }
0x3a: {  	_ = 	snop  }
0x3b: {  	_ = 	snop  }
0x3c: {  	p2 =	seq.s32 s10, $0x1;
	s10 =	sld [smem:$0x3FBA]  }
0x3d: {  	_ =	shalt  }
0x3e: {  	_ =	shalt  }
0x3f: {  	_ =	shalt  }
0x40: {  	_ =	shalt  }
0x41: {  	_ =	shalt  }
0x42: {  	_ =	shalt  }
0x43: {  	_ =	shalt  }
0x44: {  	_ =	shalt  }
0x45: {  	_ =	shalt  }
0x46: {  	_ =	shalt  }
0x47: {  	_ =	shalt  }
0x48: {  	_ =	shalt  }
0x49: {  	_ =	shalt  }
0x4a: {  	_ =	shalt  }
0x4b: {  	_ =	shalt  }
0x4c: {  	_ =	shalt  }
0x4d: {  	_ =	shalt  }
0x4e: {  	_ =	shalt  }
0x4f: {  	_ =	shalt  }
0x50: {  	_ =	shalt  }
0x51: {  	_ =	shalt  }
0x52: {  	_ =	shalt  }
0x53: {  	_ =	shalt  }
0x54: {  	_ =	shalt  }
0x55: {  	_ =	shalt  }
0x56: {  	_ =	shalt  }
0x57: {  	_ =	shalt  }
0x58: {  	_ =	shalt  }
0x59: {  	_ =	shalt  }
0x5a: {  	_ =	shalt  }
0x5b: {  	_ =	shalt  }
0x5c: {  	_ =	shalt  }
0x5d: {  	_ =	shalt  }
0x5e: {  	_ =	shalt  }
0x5f: {  	_ =	shalt  }
0x60: {  	_ =	shalt  }
0x61: {  	_ =	shalt  }
0x62: {  	_ =	shalt  }
0x63: {  	_ =	shalt  }
0x64: {  	_ =	shalt  }
0x65: {  	_ =	shalt  }
0x66: {  	_ =	shalt  }
0x67: {  	_ =	shalt  }
0x68: {  	_ =	shalt  }
0x69: {  	_ =	shalt  }
0x6a: {  	_ =	shalt  }
0x6b: {  	_ =	shalt  }
0x6c: {  	_ =	shalt  }
0x6d: {  	_ =	shalt  }
0x6e: {  	_ =	shalt  }
0x6f: {  	_ =	shalt  }
0x70: {  	_ =	shalt  }
0x71: {  	_ =	shalt  }
0x72: {  	_ =	shalt  }
0x73: {  	_ =	shalt  }
0x74: {  	_ =	shalt  }
0x75: {  	_ =	shalt  }
0x76: {  	_ =	shalt  }
0x77: {  	_ =	shalt  }
0x78: {  	_ =	shalt  }
0x79: {  	_ =	shalt  }
0x7a: {  	_ =	shalt  }
0x7b: {  	_ =	shalt  }
0x7c: {  	_ =	shalt  }
0x7d: {  	_ =	shalt  }
0x7e: {  	_ =	shalt  }
0x7f: {  	_ =	shalt  }
0x80: {  	_ =	shalt  }
0x81: {  	_ =	shalt  }
0x82: {  	_ =	shalt  }
0x83: {  	_ =	shalt  }
0x84: {  	_ =	shalt  }
0x85: {  	_ =	shalt  }
0x86: {  	_ =	shalt  }
0x87: {  	_ =	shalt  }
.Lfunc_end0:
.L_simem_size_0:
called_computation_lowered:
.L_overlay_start_0:
0x88: {  	s2 =	sld [smem:$0x3FD9]  }
0x89: {  	s3 =	sld [smem:$0x3FFE];
	_ =	sdelay $0x1  }
0x8a: {  	s1 =	srdreg.scid  }
0x8b: {  	s0 =	sand.u32 $0x1, s1  }
0x8c: {  	s18 =	sshll.u32 s0, $0xA;
	s2 =	sadd.s32 s3, s2  }
0x8d: {  	s2 =	sadd.s32 s2, s18  }
0x8e: {  	[smem:$0x3FC6] =	sst s2  }
0x8f: {  	_ = 	snop  }
0x90: {  	s2 =	sld [smem:$0x3FC9]  }
0x91: {  	s19 =	sld [smem:$0x3FC8]  }
0x92: {  	s4 =	sld [smem:$0x3FD0];
	(tm) =	ssettm $0x1  }
0x93: {  	s5 =	sld [smem:$0x3FFB];
	_ =	sdelay $0x3  }
0x94: {  	_ =	strace s5  }
0x95: {  	s5 =	sld [smem:$0x3FFC];
	_ =	sdelay $0x3  }
0x96: {  	_ =	strace s5  }
0x97: {  	s5 =	sld [smem:$0x3FFD];
	_ =	sdelay $0x3  }
0x98: {  	_ =	strace s5  }
0x99: {  	_ =	strace $0x8FFFFFFF  }
0x9a: {  	s20 =	sld [smem:$0x3FDB];
	_ =	sdelay $0x1  }
0x9b: {  	s6 =	simm.s32 $_scs_section_size  }
0x9c: {  	s7 =	simm.s32 $_size__tile_overlayer_lowered;
	s8 =	simm.s32 $_tile_overlayer_lowered  }
0x9d: {  	s23 =	simm.s32 $0x1BFF;
	s22 =	sshll.u32 s8, $0x1;
	s5 =	sadd.s32 s6, s20  }
0x9e: {  	s9 =	simm.s32 $0x0;
	s21 =	sshll.u32 s7, $0x1;
	s7 =	sadd.s32 s22, s5  }
0x9f: {  	[timem:s9], [sflag:s23] =	dma.local [hbm:s7], s21  }
0xa0: {  	_ =	swait.ge [sflag:s23], s21  }
0xa1: {  	s6 =	ssub.s32 $0x0, s21;
	[sflag:s23] =	ssyncset.done $0x0  }
0xa2: {  	[sflag:s23] =	ssyncadd.s32 s6;
	_ =	sdelay $0x1  }
0xa3: {  	s24 =	simm.s32 $0x1B8B  }
0xa4: {  	_ =	swait.ge [sflag:s24], $0x1  }
0xa5: {  	[sflag:s24] =	ssyncset.done $0x0  }
0xa6: {  	s25 =	simm.s32 $0x1B8E;
	[sflag:s24] =	ssyncadd.s32 $0xFFFFFFFF  }
0xa7: {  	s26 =	simm.s32 $execute0_lowered;
	[smem:$0x3FD2] =	sst s25  }
0xa8: {  	s6 =	sshll.u32 s26, $0x1;
	_ =	strace $0x80000046;
	[dreg:$0x1] =	wrdreg $0xFFFFFFFF  }
0xa9: {  	s28 =	simm.s32 $_size_execute0_lowered;
	s5 =	sadd.s32 s5, s6;
	[dreg:$0x0] =	wrdreg $0x0  }
0xaa: {  	s6 =	sshll.u32 s28, $0x1;
	[dreg:$0x2] =	wrdreg s5  }
0xab: {  	[dreg:$0x3] =	wrdreg s6  }
0xac: {  	[dreg:$0x4] =	wrdreg $0xC0  }
0xad: {  	_ =	task [dreg:s9], $0x5FFFF  }
0xae: {  	[dreg:$0x1] =	wrdreg $0xFFFFFFFF  }
0xaf: {  	[dreg:$0x0] =	wrdreg $0x60  }
0xb0: {  	[dreg:$0x2] =	wrdreg s2  }
0xb1: {  	[dreg:$0x3] =	wrdreg s19  }
0xb2: {  	[dreg:$0x4] =	wrdreg s4  }
0xb3: {  	[dreg:$0x5] =	wrdreg $0x9  }
0xb4: {  	_ =	task.clear_ibuf [dreg:s9], $0x6FFFF;
	_ =	strace $0x90000046  }
0xb5: {  	s29 =	simm.s32 $0x9;
	_ =	strace $0x80000048  }
0xb6: {  	_ =	swait.ge [sflag:s29], $0x1  }
0xb7: {  	[sflag:s29] =	ssyncadd.s32 $0xFFFFFFFF  }
0xb8: {  	_ =	strace $0x90000048  }
0xb9: {  	_ =	sfence  }
0xba: {  	s30 =	sld [smem:$0x0];
	_ =	sdelay $0x2  }
0xbb: {  	s31 =	sshll.u32 s1, $0xD;
	s1 =	sshrl.u32 s1, $0x2  }
0xbc: {  	s3 =	sand.u32 $0x4000, s31;
	s1 =	sadd.s32 s1, s30  }
0xbd: {  	s0 =	sor.u32 s3, s0;
	s1 =	sshll.u32 s1, $0x11  }
0xbe: {  	s0 =	sor.u32 s1, s0  }
0xbf: {  	s0 =	sadd.s32 $0x8F2B, s0  }
0xc0: {  	[sflag:s0] =	ssyncadd.remote.s32 $0x1  }
0xc1: {  	_ =	sfence.sel $0xFFFF  }
0xc2: {  	[dreg:$0x0] =	wrdreg $0xFFFFFFFF;
	(pc) =	sbr.abs _section_cstart, $3  }
0xc3: {  	[dreg:$0x1] =	wrdreg $0xFFFFFFFF  }
0xc4: {  	_ =	task.clear_ibuf [dreg:s9], $0x2FFFF;
	_ =	strace $0x9FFFFFFF  }
0xc5: {  	(tm) =	ssettm $0x7FFFFFFF  }
tec
execute0_lowered:
.L_overlay_start_1:
0x0: {  	(tag) =	ssettag $0x1  }
0x1: {  	s3 =	rddreg [dreg:$0x0]  }
0x2: {  	s4 =	rddreg [dreg:$0x2];
	s0 =	srdreg.scid;
	s1 =	simm.s32 $0x0  }
0x3: {  	s2 =	stileid.u32;
	s8 =	simm.s32 $0x3000;
	s9 =	simm.s32 $0x4000  }
0x4: {  	s13 =	simm.s32 $0x5000;
	s14 =	simm.s32 $0x6000;
	s0 =	sand.u32 $0x1, s0  }
0x5: {  	[smem:$0x7FF] =	sst s1;
	s2 =	sshll.u32 s2, $0x9;
	s6 =	sadd.s32 $0x10, s3  }
0x6: {  	s19 =	sadd.s32 $0x20, s3;
	s20 =	sadd.s32 $0x30, s3;
	s7 =	sadd.s32 $0x40, s3  }
0x7: {  	s23 =	sadd.s32 $0x50, s3;
	s24 =	sadd.s32 $0x60, s3;
	s28 =	sadd.s32 $0x40, s4  }
0x8: {  	s29 =	sadd.s32 $0x50, s4;
	_ =	strace $0x80000047;
	[dreg:$0x6] =	wrdreg s6  }
0x9: {  	s30 =	sadd.s32 $0x60, s4;
	s31 =	sadd.s32 $0x70, s4;
	[dreg:$0x7] =	wrdreg s19  }
0xa: {  	s15 =	sshll.u32 s0, $0xD;
	s0 =	ssub.s32 $0x2, s0;
	[dreg:$0x8] =	wrdreg s7  }
0xb: {  	s11 =	smov.u32 s20;
	[dreg:$0xc] =	wrdreg s23;
	s5 =	sor.u32 s2, s15  }
0xc: {  	[dreg:$0xd] =	wrdreg s24;
	s16 =	sshrl.u32 s0, $0x1;
	s2 =	sshll.u32 s5, $0x9  }
0xd: {  	s15 =	simm.s32 $0x7000;
	s0 =	ssub.s32 s0, s16;
	s17 =	sadd.s32 s3, s2  }
0xe: {  	s10 =	smov.u32 s5;
	s18 =	sadd.s32 s2, s6;
	[dreg:$0x4] =	wrdreg s17  }
0xf: {  	s1 =	sadd.s32 s2, s19;
	s21 =	sadd.s32 s2, s20;
	[dreg:$0x5] =	wrdreg s18  }
0x10: {  	s22 =	sadd.s32 s2, s7;
	s3 =	sadd.s32 $0x70, s3;
	[dreg:$0x9] =	wrdreg s1  }
0x11: {  	s25 =	sadd.s32 s2, s24;
	s24 =	sadd.s32 $0x30, s4;
	[dreg:$0xa] =	wrdreg s21  }
0x12: {  	s0 =	smax.u32 s0, $0x1;
	s19 =	simm.s32 $0x8000;
	[dreg:$0xb] =	wrdreg s22  }
0x13: {  	s6 =	simm.s32 $0x0;
	s1 =	sadd.s32 s2, s23;
	[dreg:$0x10] =	wrdreg s25  }
.Ltmp0:
0x14: {  	[dreg:$0xe] =	wrdreg s3;
	s26 =	sadd.s32 s2, s3;
	(pc) =	sbr.rel .LBB2_1-.Ltmp0, $4  }
0x15: {  	s22 =	sadd.s32 $0x10, s4;
	s23 =	sadd.s32 $0x20, s4;
	[dreg:$0x12] =	wrdreg s0  }
0x16: {  	s0 =	simm.s32 $0x80;
	s3 =	simm.s32 $0x400;
	s2 =	simm.s32 $0x1000  }
0x17: {  	s21 =	simm.s32 $0x1;
	s25 =	simm.s32 $0x2;
	[dreg:$0xf] =	wrdreg s1  }
0x18: {  	[dreg:$0x11] =	wrdreg s26;
	s26 =	sor.u32 $0x8, s5;
	s5 =	simm.s32 $0x2000  }
.LBB2_8:
0x19: {  	s1 =	simm.s32 $0x3  }
0x1a: {  	_ =	swait.ge [sflag:s1], $0x1000  }
0x1b: {  	[sflag:s1] =	ssyncset.done $0x0  }
0x1c: {  	[sflag:s1] =	ssyncadd.s32 $0xFFFFF000  }
0x1d: {  	_ =	swait.ge [sflag:s1], $0x1000  }
0x1e: {  	[sflag:s1] =	ssyncset.done $0x0  }
0x1f: {  	[sflag:s1] =	ssyncadd.s32 $0xFFFFF000  }
0x20: {  	_ =	swait.ge [sflag:s1], $0x1000  }
0x21: {  	[sflag:s1] =	ssyncset.done $0x0  }
0x22: {  	[sflag:s1] =	ssyncadd.s32 $0xFFFFF000  }
0x23: {  	_ =	swait.ge [sflag:s1], $0x1000  }
0x24: {  	[sflag:s1] =	ssyncset.done $0x0  }
0x25: {  	s4 =	simm.s32 $0x4;
	[sflag:s1] =	ssyncadd.s32 $0xFFFFF000  }
0x26: {  	_ =	swait.ge [sflag:s4], $0x1000  }
0x27: {  	[sflag:s4] =	ssyncset.done $0x0  }
0x28: {  	[sflag:s4] =	ssyncadd.s32 $0xFFFFF000  }
0x29: {  	_ =	swait.ge [sflag:s4], $0x1000  }
0x2a: {  	[sflag:s4] =	ssyncset.done $0x0  }
0x2b: {  	[sflag:s4] =	ssyncadd.s32 $0xFFFFF000  }
0x2c: {  	_ =	swait.ge [sflag:s4], $0x1000  }
0x2d: {  	[sflag:s4] =	ssyncset.done $0x0  }
0x2e: {  	[sflag:s4] =	ssyncadd.s32 $0xFFFFF000  }
0x2f: {  	_ =	swait.ge [sflag:s4], $0x1000  }
0x30: {  	s6 =	rddreg [dreg:$0x13]  }
0x31: {  	s20 =	rddreg [dreg:$0x12];
	s6 =	sadd.s32 $0x1, s6  }
0x32: {  	p0 =	sne.s32 s6, s20  }
.Ltmp1:
0x33: {  	_ = 	snop;
	(pc) =	sbr.rel @!p0 .LBB2_9-.Ltmp1, $3  }
0x34: {  	_ =	sdelay $0x1  }
0x35: {  	[sflag:s4] =	ssyncset.done $0x0  }
0x36: {  	[sflag:s4] =	ssyncadd.s32 $0xFFFFF000  }
.LBB2_1:
0x37: {  	[dreg:$0x13] =	wrdreg s6  }
0x38: {  	s1 =	rddreg [dreg:$0x4]  }
0x39: {  	[tilespmem:s2], [sflag:$0x1] =	stream.strided.gather [hbm4b:s1+s0], $0x1000, s3, s0, $0x38;
	[tilespmem:$0x11000] =	vst v63  }
0x3a: {  	s20 =	rddreg [dreg:$0x5]  }
0x3b: {  	[tilespmem:s5], [sflag:$0x1] =	stream.strided.gather [hbm4b:s20+s0], $0x1000, s3, s0, $0x38;
	[tilespmem:$0x11000] =	vst v63  }
0x3c: {  	s4 =	rddreg [dreg:$0x9]  }
0x3d: {  	[tilespmem:s8], [sflag:$0x1] =	stream.strided.gather [hbm4b:s4+s0], $0x1000, s3, s0, $0x38;
	[tilespmem:$0x11000] =	vst v63  }
0x3e: {  	s6 =	rddreg [dreg:$0xa]  }
0x3f: {  	[tilespmem:s9], [sflag:$0x1] =	stream.strided.gather [hbm4b:s6+s0], $0x1000, s3, s0, $0x38;
	[tilespmem:$0x11000] =	vst v63  }
0x40: {  	s7 =	rddreg [dreg:$0xb]  }
0x41: {  	[tilespmem:s13], [sflag:$0x2] =	stream.strided.gather [hbm4b:s7+s0], $0x1000, s3, s0, $0x38;
	[tilespmem:$0x11000] =	vst v63  }
0x42: {  	s12 =	rddreg [dreg:$0xf]  }
0x43: {  	[tilespmem:s14], [sflag:$0x2] =	stream.strided.gather [hbm4b:s12+s0], $0x1000, s3, s0, $0x38;
	[tilespmem:$0x11000] =	vst v63  }
0x44: {  	s16 =	rddreg [dreg:$0x10]  }
0x45: {  	[tilespmem:s15], [sflag:$0x2] =	stream.strided.gather [hbm4b:s16+s0], $0x1000, s3, s0, $0x38;
	[tilespmem:$0x11000] =	vst v63  }
0x46: {  	s17 =	rddreg [dreg:$0x11]  }
0x47: {  	[tilespmem:s19], [sflag:$0x2] =	stream.strided.gather [hbm4b:s17+s0], $0x1000, s3, s0, $0x38;
	[tilespmem:$0x11000] =	vst v63  }
0x48: {  	s18 =	rddreg [dreg:$0x1];
	s20 =	simm.s32 $0x5;
	s4 =	simm.s32 $0x0  }
0x49: {  	[tilespmem:s4], [sflag:$0x5] =	stream.linear.gather [hbm4b:s18+s4], $0x1000, $0x38;
	[tilespmem:$0x11000] =	vst v63  }
0x4a: {  	_ =	swait.ge [sflag:s20], $0x1000  }
0x4b: {  	[sflag:s20] =	ssyncset.done $0x0  }
0x4c: {  	s1 =	simm.s32 $0x0;
	[sflag:s20] =	ssyncadd.s32 $0xFFFFF000  }
.LBB2_2:
0x4d: {  	_ =	swait.ge [sflag:s21], $0x1000  }
0x4e: {  	[sflag:s21] =	ssyncset.done $0x0  }
0x4f: {  	[sflag:s21] =	ssyncadd.s32 $0xFFFFF000  }
0x50: {  	_ =	swait.ge [sflag:s21], $0x1000  }
0x51: {  	[sflag:s21] =	ssyncset.done $0x0  }
0x52: {  	[sflag:s21] =	ssyncadd.s32 $0xFFFFF000  }
0x53: {  	_ =	swait.ge [sflag:s21], $0x1000  }
0x54: {  	[sflag:s21] =	ssyncset.done $0x0  }
0x55: {  	[sflag:s21] =	ssyncadd.s32 $0xFFFFF000  }
0x56: {  	_ =	swait.ge [sflag:s21], $0x1000  }
0x57: {  	p0 =	seq.s32 s1, $0x0;
	[sflag:s21] =	ssyncset.done $0x0  }
0x58: {  	s4 =	simm.s32 @!p0 $0x3;
	[sflag:s21] =	ssyncadd.s32 $0xFFFFF000  }
0x59: {  	_ =	swait.ge @!p0 [sflag:s4], $0x1000  }
0x5a: {  	[sflag:s4] =	ssyncset.done @!p0 $0x0  }
0x5b: {  	[sflag:s4] =	ssyncadd.s32 @!p0 $0xFFFFF000  }
0x5c: {  	_ =	swait.ge @!p0 [sflag:s4], $0x1000  }
0x5d: {  	[sflag:s4] =	ssyncset.done @!p0 $0x0  }
0x5e: {  	[sflag:s4] =	ssyncadd.s32 @!p0 $0xFFFFF000  }
0x5f: {  	_ =	swait.ge @!p0 [sflag:s4], $0x1000  }
0x60: {  	[sflag:s4] =	ssyncset.done @!p0 $0x0  }
0x61: {  	[sflag:s4] =	ssyncadd.s32 @!p0 $0xFFFFF000  }
0x62: {  	_ =	swait.ge @!p0 [sflag:s4], $0x1000  }
0x63: {  	[sflag:s4] =	ssyncset.done @!p0 $0x0  }
0x64: {  	s18 =	simm.s32 $0x20;
	[sflag:s4] =	ssyncadd.s32 @!p0 $0xFFFFF000  }
0x65: {  	v0 =	vld [tilespmem:s18+$0x0];
	_ =	sdelay $0x3  }
0x66: {  	v1 =	vld [tilespmem:s18+$0x10];
	_ =	sdelay $0x2  }
0x67: {  	v7 =	vld [tilespmem:s18+$0xFFFFFFE0]  }
0x68: {  	v2 =	vld.idx.msk [tilespmem:v0+s2+$0x0], $0xffff  }
0x69: {  	v4 =	vld.idx.msk [tilespmem:v0+s5+$0x0], $0xffff  }
0x6a: {  	v8 =	vld.idx.msk [tilespmem:v0+s8+$0x0], $0xffff  }
0x6b: {  	v9 =	vld.idx.msk [tilespmem:v0+s9+$0x0], $0xffff  }
0x6c: {  	v10 =	vld.idx.msk [tilespmem:v1+s2+$0x0], $0xffff  }
0x6d: {  	v5 =	vld.idx.msk [tilespmem:v1+s5+$0x0], $0xffff  }
0x6e: {  	v3 =	vld.idx.msk [tilespmem:v1+s8+$0x0], $0xffff  }
0x6f: {  	s20 =	simm.s32 $0x9020;
	v6 =	vld.idx.msk [tilespmem:v1+s9+$0x0], $0xffff  }
0x70: {  	s12 =	simm.s32 $0xA020;
	v0 =	vld [tilespmem:s18+$0xFFFFFFF0];
	[tilespmem:s20+$0x0] =	vst v2  }
0x71: {  	s16 =	simm.s32 $0xB020;
	v1 =	vld.idx.msk [tilespmem:v7+s2+$0x0], $0xffff;
	[tilespmem:s12+$0x0] =	vst v4  }
0x72: {  	s17 =	simm.s32 $0xC020;
	v2 =	vld.idx.msk [tilespmem:v7+s5+$0x0], $0xffff;
	[tilespmem:s16+$0x0] =	vst v8  }
0x73: {  	s4 =	sshll.u32 s1, $0x3;
	v4 =	vld.idx.msk [tilespmem:v7+s8+$0x0], $0xffff;
	[tilespmem:s17+$0x0] =	vst v9  }
0x74: {  	s7 =	simm.s32 $0x60;
	s6 =	sor.u32 s10, s4;
	s18 =	simm.s32 $0x0;
	v7 =	vld.idx.msk [tilespmem:v7+s9+$0x0], $0xffff;
	[tilespmem:s20+$0x10] =	vst v10  }
.LBB2_3:
0x75: {  	v8 =	vld [tilespmem:s7+$0x0];
	[tilespmem:s12+$0x10] =	vst v5  }
0x76: {  	v5 =	vld [tilespmem:s7+$0xFFFFFFF0];
	[tilespmem:s16+$0x10] =	vst v3  }
0x77: {  	v9 =	vld [tilespmem:s7+$0xFFFFFFE0];
	[tilespmem:s17+$0x10] =	vst v6  }
0x78: {  	v3 =	vld.idx.msk [tilespmem:v0+s2+$0x0], $0xffff  }
0x79: {  	v6 =	vld [tilespmem:s7+$0x10]  }
0x7a: {  	v10 =	vld.idx.msk [tilespmem:v0+s5+$0x0], $0xffff  }
0x7b: {  	v11 =	vld.idx.msk [tilespmem:v0+s8+$0x0], $0xffff  }
0x7c: {  	v12 =	vld.idx.msk [tilespmem:v0+s9+$0x0], $0xffff;
	[tilespmem:s20+$0xFFFFFFE0] =	vst v1;
	v0 =	vmov v5  }
0x7d: {  	s18 =	sadd.s32 $0x40, s18;
	v1 =	vld.idx.msk [tilespmem:v8+s2+$0x0], $0xffff;
	[tilespmem:s12+$0xFFFFFFE0] =	vst v2  }
0x7e: {  	p1 =	slt.u32 s18, $0xFC0;
	v2 =	vld.idx.msk [tilespmem:v8+s5+$0x0], $0xffff;
	[tilespmem:s16+$0xFFFFFFE0] =	vst v4  }
0x7f: {  	v4 =	vld.idx.msk [tilespmem:v8+s8+$0x0], $0xffff;
	[tilespmem:s17+$0xFFFFFFE0] =	vst v7  }
0x80: {  	v7 =	vld.idx.msk [tilespmem:v8+s9+$0x0], $0xffff;
	[tilespmem:s20+$0xFFFFFFF0] =	vst v3  }
0x81: {  	v8 =	vld.idx.msk [tilespmem:v6+s2+$0x0], $0xffff;
	[tilespmem:s12+$0xFFFFFFF0] =	vst v10  }
0x82: {  	v5 =	vld.idx.msk [tilespmem:v6+s5+$0x0], $0xffff;
	[tilespmem:s16+$0xFFFFFFF0] =	vst v11  }
0x83: {  	s20 =	sadd.s32 $0x40, s20;
	v3 =	vld.idx.msk [tilespmem:v6+s8+$0x0], $0xffff;
	[tilespmem:s17+$0xFFFFFFF0] =	vst v12  }
.Ltmp2:
0x84: {  	s12 =	sadd.s32 $0x40, s12;
	v6 =	vld.idx.msk [tilespmem:v6+s9+$0x0], $0xffff;
	[tilespmem:s20+$0x0] =	vst v1;
	(pc) =	sbr.rel @p1 .LBB2_3-.Ltmp2, $4  }
0x85: {  	s16 =	sadd.s32 $0x40, s16;
	v1 =	vld.idx.msk [tilespmem:v9+s2+$0x0], $0xffff;
	[tilespmem:s12+$0x0] =	vst v2  }
0x86: {  	s17 =	sadd.s32 $0x40, s17;
	v2 =	vld.idx.msk [tilespmem:v9+s5+$0x0], $0xffff;
	[tilespmem:s16+$0x0] =	vst v4  }
0x87: {  	v4 =	vld.idx.msk [tilespmem:v9+s8+$0x0], $0xffff;
	[tilespmem:s17+$0x0] =	vst v7  }
0x88: {  	s7 =	sadd.s32 $0x40, s7;
	v7 =	vld.idx.msk [tilespmem:v9+s9+$0x0], $0xffff;
	[tilespmem:s20+$0x10] =	vst v8  }
0x89: {  	_ =	sdelay $0x3  }
0x8a: {  	v8 =	vld.idx.msk [tilespmem:v0+s2+$0x0], $0xffff  }
0x8b: {  	[tilespmem:s12+$0x10] =	vst v5;
	v5 =	vld.idx.msk [tilespmem:v0+s5+$0x0], $0xffff  }
0x8c: {  	[tilespmem:s16+$0x10] =	vst v3;
	v3 =	vld.idx.msk [tilespmem:v0+s8+$0x0], $0xffff  }
0x8d: {  	v0 =	vld.idx.msk [tilespmem:v0+s9+$0x0], $0xffff;
	[tilespmem:s20+$0xFFFFFFE0] =	vst v1  }
0x8e: {  	[tilespmem:s17+$0x10] =	vst v6  }
0x8f: {  	[tilespmem:s12+$0xFFFFFFE0] =	vst v2  }
0x90: {  	[tilespmem:s16+$0xFFFFFFE0] =	vst v4  }
0x91: {  	[tilespmem:s17+$0xFFFFFFE0] =	vst v7  }
0x92: {  	[tilespmem:s20+$0xFFFFFFF0] =	vst v8  }
0x93: {  	[tilespmem:s12+$0xFFFFFFF0] =	vst v5  }
0x94: {  	s7 =	simm.s32 $0x9000;
	s20 =	sshll.u32 s6, $0x9;
	[tilespmem:s16+$0xFFFFFFF0] =	vst v3;
	s16 =	rddreg [dreg:$0x2]  }
0x95: {  	s18 =	simm.s32 $0xA000;
	p1 =	seq.s32 s1, $0x3F;
	[tilespmem:s17+$0xFFFFFFF0] =	vst v0;
	s6 =	sadd.s32 s16, s20  }
0x96: {  	[hbm4b:s6+s0] =	stream.strided.scatter [tilespmem:s7], [sflag:$0x3], $0x1000, s3, s0, $0x38;
	[tilespmem:$0x11000] =	vst v63  }
0x97: {  	s12 =	simm.s32 $0xB000;
	s17 =	sadd.s32 s20, s22;
	s6 =	sadd.s32 @!p1 s4, s26  }
0x98: {  	[hbm4b:s17+s0] =	stream.strided.scatter [tilespmem:s18], [sflag:$0x3], $0x1000, s3, s0, $0x38;
	[tilespmem:$0x11000] =	vst v63  }
0x99: {  	s16 =	sadd.s32 s20, s24;
	s7 =	sadd.s32 s20, s23;
	s6 =	sshll.u32 @!p1 s6, $0x9  }
0x9a: {  	[hbm4b:s7+s0] =	stream.strided.scatter [tilespmem:s12], [sflag:$0x3], $0x1000, s3, s0, $0x38;
	[tilespmem:$0x11000] =	vst v63  }
0x9b: {  	s17 =	simm.s32 $0xC000;
	s7 =	rddreg [dreg:$0x0];
	s12 =	simm.s32 @!p1 $0x80  }
0x9c: {  	[hbm4b:s16+s0] =	stream.strided.scatter [tilespmem:s17], [sflag:$0x3], $0x1000, s3, s0, $0x38;
	[tilespmem:$0x11000] =	vst v63  }
0x9d: {  	s7 =	sadd.s32 @!p1 s7, s6;
	s16 =	simm.s32 @!p1 $0x400;
	s17 =	simm.s32 @!p1 $0x1000  }
0x9e: {  	[tilespmem:s17], [sflag:$0x1] =	stream.strided.gather @!p1 [hbm4b:s7+s12], $0x1000, s16, s12, $0x38;
	[tilespmem:$0x11000] =	vst v63  }
0x9f: {  	s7 =	rddreg [dreg:$0x6]  }
0xa0: {  	s17 =	simm.s32 @!p1 $0x2000;
	s7 =	sadd.s32 @!p1 s6, s7  }
0xa1: {  	[tilespmem:s17], [sflag:$0x1] =	stream.strided.gather @!p1 [hbm4b:s7+s12], $0x1000, s16, s12, $0x38;
	[tilespmem:$0x11000] =	vst v63  }
0xa2: {  	s7 =	rddreg [dreg:$0x7]  }
0xa3: {  	s17 =	simm.s32 @!p1 $0x3000;
	s7 =	sadd.s32 @!p1 s6, s7  }
0xa4: {  	[tilespmem:s17], [sflag:$0x1] =	stream.strided.gather @!p1 [hbm4b:s7+s12], $0x1000, s16, s12, $0x38;
	[tilespmem:$0x11000] =	vst v63  }
0xa5: {  	s6 =	sadd.s32 @!p1 s6, s11;
	s7 =	simm.s32 @!p1 $0x4000  }
0xa6: {  	[tilespmem:s7], [sflag:$0x1] =	stream.strided.gather @!p1 [hbm4b:s6+s12], $0x1000, s16, s12, $0x38;
	[tilespmem:$0x11000] =	vst v63  }
0xa7: {  	_ =	swait.ge [sflag:s25], $0x1000  }
0xa8: {  	[sflag:s25] =	ssyncset.done $0x0  }
0xa9: {  	[sflag:s25] =	ssyncadd.s32 $0xFFFFF000  }
0xaa: {  	_ =	swait.ge [sflag:s25], $0x1000  }
0xab: {  	[sflag:s25] =	ssyncset.done $0x0  }
0xac: {  	[sflag:s25] =	ssyncadd.s32 $0xFFFFF000  }
0xad: {  	_ =	swait.ge [sflag:s25], $0x1000  }
0xae: {  	[sflag:s25] =	ssyncset.done $0x0  }
0xaf: {  	[sflag:s25] =	ssyncadd.s32 $0xFFFFF000  }
0xb0: {  	_ =	swait.ge [sflag:s25], $0x1000  }
0xb1: {  	[sflag:s25] =	ssyncset.done $0x0  }
0xb2: {  	s6 =	simm.s32 @!p0 $0x4;
	[sflag:s25] =	ssyncadd.s32 $0xFFFFF000  }
0xb3: {  	_ =	swait.ge @!p0 [sflag:s6], $0x1000  }
0xb4: {  	[sflag:s6] =	ssyncset.done @!p0 $0x0  }
0xb5: {  	[sflag:s6] =	ssyncadd.s32 @!p0 $0xFFFFF000  }
0xb6: {  	_ =	swait.ge @!p0 [sflag:s6], $0x1000  }
0xb7: {  	[sflag:s6] =	ssyncset.done @!p0 $0x0  }
0xb8: {  	[sflag:s6] =	ssyncadd.s32 @!p0 $0xFFFFF000  }
0xb9: {  	_ =	swait.ge @!p0 [sflag:s6], $0x1000  }
0xba: {  	[sflag:s6] =	ssyncset.done @!p0 $0x0  }
0xbb: {  	[sflag:s6] =	ssyncadd.s32 @!p0 $0xFFFFF000  }
0xbc: {  	_ =	swait.ge @!p0 [sflag:s6], $0x1000  }
0xbd: {  	[sflag:s6] =	ssyncset.done @!p0 $0x0  }
0xbe: {  	s18 =	simm.s32 $0x20;
	[sflag:s6] =	ssyncadd.s32 @!p0 $0xFFFFF000  }
0xbf: {  	v0 =	vld [tilespmem:s18+$0x0];
	_ =	sdelay $0x3  }
0xc0: {  	v1 =	vld [tilespmem:s18+$0x10];
	_ =	sdelay $0x2  }
0xc1: {  	v7 =	vld [tilespmem:s18+$0xFFFFFFE0]  }
0xc2: {  	v2 =	vld.idx.msk [tilespmem:v0+s13+$0x0], $0xffff  }
0xc3: {  	v3 =	vld.idx.msk [tilespmem:v0+s14+$0x0], $0xffff  }
0xc4: {  	v8 =	vld.idx.msk [tilespmem:v0+s15+$0x0], $0xffff  }
0xc5: {  	v9 =	vld.idx.msk [tilespmem:v0+s19+$0x0], $0xffff  }
0xc6: {  	v10 =	vld.idx.msk [tilespmem:v1+s13+$0x0], $0xffff  }
0xc7: {  	v5 =	vld.idx.msk [tilespmem:v1+s14+$0x0], $0xffff  }
0xc8: {  	v4 =	vld.idx.msk [tilespmem:v1+s15+$0x0], $0xffff  }
0xc9: {  	s12 =	simm.s32 $0xD020;
	v6 =	vld.idx.msk [tilespmem:v1+s19+$0x0], $0xffff  }
0xca: {  	s16 =	simm.s32 $0xE020;
	v0 =	vld [tilespmem:s18+$0xFFFFFFF0];
	[tilespmem:s12+$0x0] =	vst v2  }
0xcb: {  	s17 =	simm.s32 $0xF020;
	v1 =	vld.idx.msk [tilespmem:v7+s13+$0x0], $0xffff;
	[tilespmem:s16+$0x0] =	vst v3  }
0xcc: {  	s6 =	simm.s32 $0x10020;
	v2 =	vld.idx.msk [tilespmem:v7+s14+$0x0], $0xffff;
	[tilespmem:s17+$0x0] =	vst v8  }
0xcd: {  	v3 =	vld.idx.msk [tilespmem:v7+s15+$0x0], $0xffff;
	[tilespmem:s6+$0x0] =	vst v9  }
0xce: {  	s7 =	simm.s32 $0x60;
	s18 =	simm.s32 $0x0;
	v7 =	vld.idx.msk [tilespmem:v7+s19+$0x0], $0xffff;
	[tilespmem:s12+$0x10] =	vst v10  }
.LBB2_5:
0xcf: {  	v8 =	vld [tilespmem:s7+$0x0];
	[tilespmem:s16+$0x10] =	vst v5  }
0xd0: {  	v5 =	vld [tilespmem:s7+$0xFFFFFFF0];
	[tilespmem:s17+$0x10] =	vst v4  }
0xd1: {  	v9 =	vld [tilespmem:s7+$0xFFFFFFE0];
	[tilespmem:s6+$0x10] =	vst v6  }
0xd2: {  	v4 =	vld.idx.msk [tilespmem:v0+s13+$0x0], $0xffff  }
0xd3: {  	v6 =	vld [tilespmem:s7+$0x10]  }
0xd4: {  	v10 =	vld.idx.msk [tilespmem:v0+s14+$0x0], $0xffff  }
0xd5: {  	v11 =	vld.idx.msk [tilespmem:v0+s15+$0x0], $0xffff  }
0xd6: {  	v12 =	vld.idx.msk [tilespmem:v0+s19+$0x0], $0xffff;
	[tilespmem:s12+$0xFFFFFFE0] =	vst v1;
	v0 =	vmov v5  }
0xd7: {  	s18 =	sadd.s32 $0x40, s18;
	v1 =	vld.idx.msk [tilespmem:v8+s13+$0x0], $0xffff;
	[tilespmem:s16+$0xFFFFFFE0] =	vst v2  }
0xd8: {  	p0 =	slt.u32 s18, $0xFC0;
	v2 =	vld.idx.msk [tilespmem:v8+s14+$0x0], $0xffff;
	[tilespmem:s17+$0xFFFFFFE0] =	vst v3  }
0xd9: {  	v3 =	vld.idx.msk [tilespmem:v8+s15+$0x0], $0xffff;
	[tilespmem:s6+$0xFFFFFFE0] =	vst v7  }
0xda: {  	v7 =	vld.idx.msk [tilespmem:v8+s19+$0x0], $0xffff;
	[tilespmem:s12+$0xFFFFFFF0] =	vst v4  }
0xdb: {  	v8 =	vld.idx.msk [tilespmem:v6+s13+$0x0], $0xffff;
	[tilespmem:s16+$0xFFFFFFF0] =	vst v10  }
0xdc: {  	v5 =	vld.idx.msk [tilespmem:v6+s14+$0x0], $0xffff;
	[tilespmem:s17+$0xFFFFFFF0] =	vst v11  }
0xdd: {  	s12 =	sadd.s32 $0x40, s12;
	v4 =	vld.idx.msk [tilespmem:v6+s15+$0x0], $0xffff;
	[tilespmem:s6+$0xFFFFFFF0] =	vst v12  }
.Ltmp3:
0xde: {  	s16 =	sadd.s32 $0x40, s16;
	v6 =	vld.idx.msk [tilespmem:v6+s19+$0x0], $0xffff;
	[tilespmem:s12+$0x0] =	vst v1;
	(pc) =	sbr.rel @p0 .LBB2_5-.Ltmp3, $4  }
0xdf: {  	s17 =	sadd.s32 $0x40, s17;
	v1 =	vld.idx.msk [tilespmem:v9+s13+$0x0], $0xffff;
	[tilespmem:s16+$0x0] =	vst v2  }
0xe0: {  	s6 =	sadd.s32 $0x40, s6;
	v2 =	vld.idx.msk [tilespmem:v9+s14+$0x0], $0xffff;
	[tilespmem:s17+$0x0] =	vst v3  }
0xe1: {  	v3 =	vld.idx.msk [tilespmem:v9+s15+$0x0], $0xffff;
	[tilespmem:s6+$0x0] =	vst v7  }
0xe2: {  	s7 =	sadd.s32 $0x40, s7;
	v7 =	vld.idx.msk [tilespmem:v9+s19+$0x0], $0xffff;
	[tilespmem:s12+$0x10] =	vst v8  }
0xe3: {  	_ =	sdelay $0x3  }
0xe4: {  	v8 =	vld.idx.msk [tilespmem:v0+s13+$0x0], $0xffff  }
0xe5: {  	[tilespmem:s16+$0x10] =	vst v5;
	v61 =	vld.idx.msk [tilespmem:v0+s14+$0x0], $0xffff  }
0xe6: {  	v62 =	vld.idx.msk [tilespmem:v0+s15+$0x0], $0xffff;
	[tilespmem:s17+$0x10] =	vst v4  }
0xe7: {  	v63 =	vld.idx.msk [tilespmem:v0+s19+$0x0], $0xffff;
	[tilespmem:s12+$0xFFFFFFE0] =	vst v1  }
0xe8: {  	[tilespmem:s6+$0x10] =	vst v6  }
0xe9: {  	[tilespmem:s16+$0xFFFFFFE0] =	vst v2  }
0xea: {  	[tilespmem:s17+$0xFFFFFFE0] =	vst v3  }
0xeb: {  	[tilespmem:s6+$0xFFFFFFE0] =	vst v7  }
0xec: {  	[tilespmem:s12+$0xFFFFFFF0] =	vst v8  }
0xed: {  	[tilespmem:s16+$0xFFFFFFF0] =	vst v61  }
0xee: {  	[tilespmem:s17+$0xFFFFFFF0] =	vst v62  }
0xef: {  	s18 =	sadd.s32 s20, s28;
	s7 =	simm.s32 $0xD000;
	[tilespmem:s6+$0xFFFFFFF0] =	vst v63  }
0xf0: {  	[hbm4b:s18+s0] =	stream.strided.scatter [tilespmem:s7], [sflag:$0x4], $0x1000, s3, s0, $0x38;
	[tilespmem:$0x11000] =	vst v63  }
0xf1: {  	s12 =	simm.s32 $0xE000;
	s7 =	sadd.s32 s20, s29  }
0xf2: {  	[hbm4b:s7+s0] =	stream.strided.scatter [tilespmem:s12], [sflag:$0x4], $0x1000, s3, s0, $0x38;
	[tilespmem:$0x11000] =	vst v63  }
.Ltmp4:
0xf3: {  	_ = 	snop;
	(pc) =	sbr.rel @p1 .LBB2_8-.Ltmp4, $4  }
0xf4: {  	s16 =	sadd.s32 s20, s30;
	s17 =	simm.s32 $0xF000  }
0xf5: {  	[hbm4b:s16+s0] =	stream.strided.scatter [tilespmem:s17], [sflag:$0x4], $0x1000, s3, s0, $0x38;
	[tilespmem:$0x11000] =	vst v63  }
0xf6: {  	s18 =	sadd.s32 s20, s31;
	s20 =	simm.s32 $0x10000  }
0xf7: {  	[hbm4b:s18+s0] =	stream.strided.scatter [tilespmem:s20], [sflag:$0x4], $0x1000, s3, s0, $0x38;
	[tilespmem:$0x11000] =	vst v63  }
0xf8: {  	s4 =	sadd.s32 s4, s26  }
0xf9: {  	s4 =	sshll.u32 s4, $0x9  }
0xfa: {  	s6 =	rddreg [dreg:$0x8];
	s4 =	sand.u32 $0xFFF000, s4  }
0xfb: {  	s17 =	rddreg [dreg:$0xc];
	s6 =	sadd.s32 s4, s6  }
0xfc: {  	[tilespmem:s13], [sflag:$0x2] =	stream.strided.gather [hbm4b:s6+s0], $0x1000, s3, s0, $0x38;
	[tilespmem:$0x11000] =	vst v63  }
0xfd: {  	s6 =	sadd.s32 s4, s17  }
0xfe: {  	[tilespmem:s14], [sflag:$0x2] =	stream.strided.gather [hbm4b:s6+s0], $0x1000, s3, s0, $0x38;
	[tilespmem:$0x11000] =	vst v63  }
.Ltmp5:
0xff: {  	s18 =	rddreg [dreg:$0xd];
	(pc) =	sbr.rel .LBB2_2-.Ltmp5, $4  }
0x100: {  	s20 =	rddreg [dreg:$0xe];
	s6 =	sadd.s32 s4, s18  }
0x101: {  	[tilespmem:s15], [sflag:$0x2] =	stream.strided.gather [hbm4b:s6+s0], $0x1000, s3, s0, $0x38;
	[tilespmem:$0x11000] =	vst v63  }
0x102: {  	s1 =	sadd.s32 $0x1, s1;
	s4 =	sadd.s32 s4, s20  }
0x103: {  	[tilespmem:s19], [sflag:$0x2] =	stream.strided.gather [hbm4b:s4+s0], $0x1000, s3, s0, $0x38;
	[tilespmem:$0x11000] =	vst v63  }
.LBB2_9:
0x104: {  	_ =	sfence.sel $0x180000  }
0x105: {  	[bflag:$0x0] =	sbarrier.arrive $0xFFFF  }
0x106: {  	_ =	strace $0x90000047  }
0x107: {  	s0 =	stileid.u32;
	[bflag:$0x2] =	sbarrier.arrive $0xFFFF  }
0x108: {  	p0 =	sne.s32 s0, $0x0;
	s0 =	rddreg [dreg:$0x3]  }
0x109: {  	s0 =	sadd.s32 @!p0 $0x100000, s0  }
0x10a: {  	[sflag:s0] =	ssyncadd.tile.s32 @!p0 $0x1;
	_ =	shalt  }
.Lfunc_end2:
_tile_overlayer_lowered:
.L_overlay_start_2:
0x10b: {  	(tag) =	ssettag $0x2  }
0x10c: {  	s0 =	rddreg [dreg:$0x0];
	s2 =	stileid.u32  }
0x10d: {  	s1 =	rddreg [dreg:$0x1];
	p0 =	sne.s32 s2, $0x0  }
0x10e: {  	s3 =	rddreg [dreg:$0x2];
	[bflag:$0x3] =	sbarrier.arrive $0xFFFF;
	s2 =	simm.s32 @!p0 $0x1C05  }
0x10f: {  	[timem:s3], [sflag:s2] =	dma.local @!p0 [hbm:s0], s1  }
0x110: {  	s0 =	simm.s32 @!p0 $0x5  }
0x111: {  	_ =	swait.ge @!p0 [sflag:s0], s1  }
0x112: {  	s1 =	ssub.s32 @!p0 $0x0, s1;
	[sflag:s0] =	ssyncset.done @!p0 $0x0  }
0x113: {  	[sflag:s0] =	ssyncadd.s32 @!p0 s1  }
0x114: {  	[bflag:$0x3] =	sbarrier.arrive $0xFFFF  }
0x115: {  	_ =	shalt  }

</sc_bundles>
